<compile_context>
chip_gen: v7x
topology: tpu7x:2x2x1
jax: 0.10.2.dev20260603
libtpu: 0.0.44.dev20260713+nightly
codegen_flags: <defaults>
</compile_context>

<pallas_src>
import functools

import numpy as np
import jax
import jax.numpy as jnp
from jax import lax
from jax.experimental import pallas as pl
from jax.experimental.pallas import tpu as pltpu
from jax.experimental.pallas import tpu_sc as plsc

_NUM_SAMPLE = 4096

_NUM_CORES = 2
_NUM_SUBCORES = 16
_NUM_WORKERS = _NUM_CORES * _NUM_SUBCORES
_CHUNK = 128


@functools.lru_cache(maxsize=None)
def _flat_sample_indices(B: int, N: int, C: int) -> np.ndarray:
    cpu = jax.local_devices(backend="cpu")[0]
    with jax.ensure_compile_time_eval(), jax.default_device(cpu):
        keys = jax.random.split(jax.random.key(42), B)
        idx = jax.vmap(lambda k: jax.random.permutation(k, N)[:_NUM_SAMPLE])(keys)
    idx = np.asarray(jax.device_get(idx)).astype(np.int64)
    rows = idx + (np.arange(B, dtype=np.int64) * N)[:, None]
    elems = rows.reshape(-1, 1) * C + np.arange(C, dtype=np.int64)
    return elems.reshape(-1).astype(np.int32)


@functools.lru_cache(maxsize=None)
def _build_flatten(B: int, N: int, C: int):
    w_per_b = _NUM_WORKERS // B
    assert w_per_b * B == _NUM_WORKERS and N % w_per_b == 0
    rows_w = N // w_per_b
    elems_w = rows_w * C
    ROWS = 200
    NBUF = 4
    MACROS = ROWS * C // 48
    WRITE_EVERY = 10
    n_chunks = rows_w // ROWS
    span = WRITE_EVERY * ROWS * C
    assert n_chunks * ROWS == rows_w and n_chunks % WRITE_EVERY == 0
    assert MACROS * 48 == ROWS * C and span % 8 == 0
    mesh = plsc.VectorSubcoreMesh(core_axis_name="c", subcore_axis_name="s")

    @functools.partial(
        pl.kernel,
        out_type=jax.ShapeDtypeStruct((B * N * C,), jnp.float32),
        mesh=mesh,
        scratch_types=[
            pltpu.VMEM((7 * 16,), jnp.int32),
            pltpu.VMEM((NBUF, ROWS, C), jnp.float32),
            pltpu.VMEM((2 * span,), jnp.float32),
            pltpu.SemaphoreType.DMA,
            pltpu.SemaphoreType.DMA,
            pltpu.SemaphoreType.DMA,
            pltpu.SemaphoreType.DMA,
            pltpu.SemaphoreType.DMA,
            pltpu.SemaphoreType.DMA,
        ],
        compiler_params=pltpu.CompilerParams(needs_layout_passes=False),
    )
    def flatten_kernel(
        pts_hbm, aux_hbm, out_hbm, aux_v, vbuf, out_v,
        sem0, sem1, sem2, sem3, semo0, semo1,
    ):
        wid = lax.axis_index("s") * _NUM_CORES + lax.axis_index("c")
        b = wid // w_per_b
        h = wid % w_per_b
        row0 = h * rows_w
        obase = wid * elems_w

        pltpu.sync_copy(aux_hbm, aux_v)
        phases = [
            (aux_v[pl.ds(32 * p, 16)], aux_v[pl.ds(32 * p + 16, 16)])
            for p in range(3)
        ]
        zvec = aux_v[pl.ds(96, 16)]

        def fire(k, buf, sem):
            pltpu.async_copy(
                pts_hbm.at[b, pl.ds(row0 + k * ROWS, ROWS), :],
                vbuf.at[buf],
                sem,
            )

        def wait(buf, sem):
            pltpu.make_async_copy(
                pts_hbm.at[b, pl.ds(row0, ROWS), :], vbuf.at[buf], sem
            ).wait()

        sems = (sem0, sem1, sem2, sem3)
        for j in range(NBUF - 1):
            fire(j, j, sems[j])

        def chunk_body(k, carry):
            par = lax.rem(k, NBUF)
            nxt = k + NBUF - 1
            nxt_par = lax.rem(nxt, NBUF)

            for j in range(NBUF):
                @pl.when(jnp.logical_and(nxt < n_chunks, nxt_par == j))
                def _(j=j):
                    fire(nxt, j, sems[j])

            for j in range(NBUF):
                @pl.when(par == j)
                def _(j=j):
                    wait(j, sems[j])

            sup = k // WRITE_EVERY
            ob = lax.rem(sup, 2)
            semos = (semo0, semo1)

            for j in range(2):
                @pl.when(
                    jnp.logical_and(
                        lax.rem(k, WRITE_EVERY) == 0,
                        jnp.logical_and(sup >= 2, ob == j),
                    )
                )
                def _(j=j):
                    pltpu.make_async_copy(
                        out_v.at[pl.ds(0, span)],
                        out_hbm.at[pl.ds(obase, span)],
                        semos[j],
                    ).wait()

            bvec = zvec + par
            vbase = ob * span + lax.rem(k, WRITE_EVERY) * (ROWS * C)

            for m in range(MACROS):
                for p, (iv, jv) in enumerate(phases):
                    vals = plsc.load_gather(vbuf, [bvec, iv + 8 * m, jv])
                    out_v[pl.ds(vbase + m * 48 + p * 16, 16)] = vals

            for j in range(2):
                @pl.when(
                    jnp.logical_and(
                        lax.rem(k, WRITE_EVERY) == WRITE_EVERY - 1, ob == j
                    )
                )
                def _(j=j):
                    pltpu.async_copy(
                        out_v.at[pl.ds(j * span, span)],
                        out_hbm.at[pl.ds(obase + sup * span, span)],
                        semos[j],
                    )

            return carry

        lax.fori_loop(0, n_chunks, chunk_body, 0)
        pltpu.make_async_copy(
            out_v.at[pl.ds(0, span)], out_hbm.at[pl.ds(obase, span)], semo0
        ).wait()
        pltpu.make_async_copy(
            out_v.at[pl.ds(0, span)], out_hbm.at[pl.ds(obase, span)], semo1
        ).wait()

    return flatten_kernel


@functools.lru_cache(maxsize=None)
def _build_gather(E: int):
    assert E % (_NUM_WORKERS * _CHUNK) == 0
    per_w = E // _NUM_WORKERS
    n_chunks = per_w // _CHUNK
    mesh = plsc.VectorSubcoreMesh(core_axis_name="c", subcore_axis_name="s")

    @functools.partial(
        pl.kernel,
        out_type=jax.ShapeDtypeStruct((E,), jnp.float32),
        mesh=mesh,
        scratch_types=[
            pltpu.VMEM((per_w,), jnp.int32),
            pltpu.VMEM((per_w,), jnp.float32),
            pltpu.SemaphoreType.DMA,
        ],
    )
    def gather_kernel(table_hbm, idx_hbm, out_hbm, idx_v, vals_v, sem):
        wid = lax.axis_index("s") * _NUM_CORES + lax.axis_index("c")
        base = wid * per_w
        pltpu.sync_copy(idx_hbm.at[pl.ds(base, per_w)], idx_v)

        def issue(c, carry):
            off = c * _CHUNK
            pltpu.async_copy(
                table_hbm.at[idx_v.at[pl.ds(off, _CHUNK)]],
                vals_v.at[pl.ds(off, _CHUNK)],
                sem,
            )
            return carry

        lax.fori_loop(0, n_chunks, issue, 0)
        pltpu.make_async_copy(table_hbm.at[pl.ds(0, per_w)], vals_v, sem).wait()
        pltpu.sync_copy(vals_v, out_hbm.at[pl.ds(base, per_w)])

    return gather_kernel


@functools.lru_cache(maxsize=None)
def _flatten_aux(C: int) -> np.ndarray:
    q = np.arange(48, dtype=np.int32)
    iv, jv = q // C, q % C
    parts = []
    for p in range(3):
        parts += [iv[16 * p : 16 * (p + 1)], jv[16 * p : 16 * (p + 1)]]
    parts.append(np.zeros(16, np.int32))
    return np.concatenate(parts)


def kernel(points):
    B, N, C = points.shape
    flat_idx = jnp.asarray(_flat_sample_indices(B, N, C))
    table = _build_flatten(B, N, C)(points, jnp.asarray(_flatten_aux(C)))
    out = _build_gather(B * _NUM_SAMPLE * C)(table, flat_idx)
    return out.reshape(B, _NUM_SAMPLE, C)

# --- scband reference (transcript-rebuilt; emitter-appended) ---
"""Pipeline reference for scband-random-point-sampling-87050397155540 (READ-ONLY COPY).

The authoritative reference and input builder live on the scoring server;
editing this copy changes nothing except your own understanding.
"""

import jax, jax.numpy as jnp
import numpy as np

NUM_SAMPLE = 4096


def setup_inputs(seed: int = 0) -> dict:
    key = jax.random.key(seed)
    points = jax.random.normal(key, (16, 100000, 6), dtype=jnp.float32)
    return {"points": points}


def reference(points):
    # Faithful translation of F.random_point_sampling_and_gather(points, num_sample):
    # for each batch element, draw num_sample distinct random point indices and
    # gather those points.
    B, N, C = points.shape
    key = jax.random.key(42)
    keys = jax.random.split(key, B)
    idx = jax.vmap(lambda k: jax.random.permutation(k, N)[:NUM_SAMPLE])(keys)  # [B, num_sample] int
    samples = jnp.take_along_axis(points, idx[:, :, None], axis=1)  # [B, num_sample, C]
    return samples

if __name__ == "__main__":
    import jax
    _d = setup_inputs()
    print(jax.jit(kernel)(*tuple(_d.values())))

</pallas_src>

<mosaic_0001>
#map = affine_map<(d0, d1) -> (0)>
module attributes {stable_mosaic.version = 14 : i64} {
  func.func @gather_kernel(%arg0: i32, %arg1: i32, %arg2: memref<9600000xf32, #tpu.memory_space<hbm>>, %arg3: memref<393216xi32, #tpu.memory_space<hbm>>, %arg4: memref<393216xf32, #tpu.memory_space<hbm>>, %arg5: memref<12288xi32, #tpu.memory_space<vmem>>, %arg6: memref<12288xf32, #tpu.memory_space<vmem>>, %arg7: memref<!tpu.dma_semaphore, #tpu.memory_space<semaphore_mem>>) attributes {dimension_semantics = [#tpu.dimension_semantics<core_parallel>, #tpu.dimension_semantics<subcore_parallel>], iteration_bounds = array<i64: 2, 16>, scalar_prefetch = 0 : i64, scratch_operands = 3 : i64, tpu.core_type = #tpu.core_type<sc_vector_subcore>, window_params = [{transform_indices = #map}, {transform_indices = #map}, {transform_indices = #map}]} {
    %mul3A = arith.constant 2 : i32
    %mul3A_0 = arith.muli %arg1, %mul3A : i32
    %add3A = arith.addi %mul3A_0, %arg0 : i32
    %mul3A_1 = arith.constant 12288 : i32
    %mul3A_2 = arith.muli %add3A, %mul3A_1 : i32
    "tpu.region"() ({
      %run_scoped3A = tpu.sem_alloc : memref<!tpu.dma_semaphore, #tpu.memory_space<semaphore_mem>>
      %dma_start3A = tpu.memref_slice %arg3[%mul3A_2] : memref<393216xi32, #tpu.memory_space<hbm>> -> memref<12288xi32, #tpu.memory_space<hbm>>
      %dma_start3A_11 = tpu.memref_slice %arg3[%mul3A_2] : memref<393216xi32, #tpu.memory_space<hbm>> -> memref<12288xi32, #tpu.memory_space<hbm>>
      tpu.enqueue_dma source(%dma_start3A_11 : memref<12288xi32, #tpu.memory_space<hbm>>) target(%arg5 : memref<12288xi32, #tpu.memory_space<vmem>>) target_semaphore(%run_scoped3A : memref<!tpu.dma_semaphore, #tpu.memory_space<semaphore_mem>>)
      %dma_wait3A_12 = tpu.memref_slice %arg3[%mul3A_2] : memref<393216xi32, #tpu.memory_space<hbm>> -> memref<12288xi32, #tpu.memory_space<hbm>>
      %dma_wait3A_13 = tpu.memref_slice %arg3[%mul3A_2] : memref<393216xi32, #tpu.memory_space<hbm>> -> memref<12288xi32, #tpu.memory_space<hbm>>
      tpu.wait_dma2 semaphore(%run_scoped3A : memref<!tpu.dma_semaphore, #tpu.memory_space<semaphore_mem>>) src(%dma_wait3A_13 : memref<12288xi32, #tpu.memory_space<hbm>>) dst(%arg5 : memref<12288xi32, #tpu.memory_space<vmem>>)
      tpu.yield
    }) : () -> ()
    %scan3A = arith.constant 0 : i32
    %scan3A_3 = arith.constant 0 : i32
    %scan3A_4 = arith.constant 96 : i32
    %scan3A_5 = arith.addi %scan3A_3, %scan3A_4 : i32
    %scan3A_6 = arith.constant 1 : i32
    scf.for %scan3A_11 = %scan3A_3 to %scan3A_5 step %scan3A_6  : i32 {
      %mul3A_12 = arith.constant 128 : i32
      %mul3A_13 = arith.muli %scan3A_11, %mul3A_12 : i32
      %dma_start3A = tpu.memref_slice %arg6[%mul3A_13] : memref<12288xf32, #tpu.memory_space<vmem>> -> memref<128xf32, #tpu.memory_space<vmem>>
      %dma_start3A_14 = tpu.memref_slice %arg5[%mul3A_13] : memref<12288xi32, #tpu.memory_space<vmem>> -> memref<128xi32, #tpu.memory_space<vmem>>
      %dma_start3A_15 = arith.constant 0 : i32
      %dma_start3A_16 = tpu.memref_slice %arg2[%dma_start3A_15] : memref<9600000xf32, #tpu.memory_space<hbm>> -> memref<9600000xf32, #tpu.memory_space<hbm>>
      tpu.enqueue_indirect_dma source(%dma_start3A_16 : memref<9600000xf32, #tpu.memory_space<hbm>>) target(%dma_start3A : memref<128xf32, #tpu.memory_space<vmem>>) offsets(%dma_start3A_14 : memref<128xi32, #tpu.memory_space<vmem>>) semaphore(%arg7 : memref<!tpu.dma_semaphore, #tpu.memory_space<semaphore_mem>>)
    }
    %scan3A_7 = arith.constant 96 : i32
    %dma_wait3A = arith.constant 0 : i32
    %dma_wait3A_8 = tpu.memref_slice %arg2[%dma_wait3A] : memref<9600000xf32, #tpu.memory_space<hbm>> -> memref<12288xf32, #tpu.memory_space<hbm>>
    %dma_wait3A_9 = arith.constant 0 : i32
    %dma_wait3A_10 = tpu.memref_slice %arg2[%dma_wait3A_9] : memref<9600000xf32, #tpu.memory_space<hbm>> -> memref<12288xf32, #tpu.memory_space<hbm>>
    tpu.wait_dma2 semaphore(%arg7 : memref<!tpu.dma_semaphore, #tpu.memory_space<semaphore_mem>>) src(%dma_wait3A_10 : memref<12288xf32, #tpu.memory_space<hbm>>) dst(%arg6 : memref<12288xf32, #tpu.memory_space<vmem>>)
    "tpu.region"() ({
      %run_scoped3A = tpu.sem_alloc : memref<!tpu.dma_semaphore, #tpu.memory_space<semaphore_mem>>
      %dma_start3A = tpu.memref_slice %arg4[%mul3A_2] : memref<393216xf32, #tpu.memory_space<hbm>> -> memref<12288xf32, #tpu.memory_space<hbm>>
      %dma_start3A_11 = tpu.memref_slice %arg4[%mul3A_2] : memref<393216xf32, #tpu.memory_space<hbm>> -> memref<12288xf32, #tpu.memory_space<hbm>>
      tpu.enqueue_dma source(%arg6 : memref<12288xf32, #tpu.memory_space<vmem>>) target(%dma_start3A_11 : memref<12288xf32, #tpu.memory_space<hbm>>) target_semaphore(%run_scoped3A : memref<!tpu.dma_semaphore, #tpu.memory_space<semaphore_mem>>)
      %dma_wait3A_12 = tpu.memref_slice %arg4[%mul3A_2] : memref<393216xf32, #tpu.memory_space<hbm>> -> memref<12288xf32, #tpu.memory_space<hbm>>
      %dma_wait3A_13 = tpu.memref_slice %arg4[%mul3A_2] : memref<393216xf32, #tpu.memory_space<hbm>> -> memref<12288xf32, #tpu.memory_space<hbm>>
      tpu.wait_dma2 semaphore(%run_scoped3A : memref<!tpu.dma_semaphore, #tpu.memory_space<semaphore_mem>>) src(%arg6 : memref<12288xf32, #tpu.memory_space<vmem>>) dst(%dma_wait3A_13 : memref<12288xf32, #tpu.memory_space<hbm>>)
      tpu.yield
    }) : () -> ()
    return
  }
}

#map = affine_map<(d0, d1) -> (0, 0, 0)>
#map1 = affine_map<(d0, d1) -> (0)>
module attributes {stable_mosaic.version = 14 : i64} {
  func.func @flatten_kernel(%arg0: i32, %arg1: i32, %arg2: memref<16x100000x6xf32, #tpu.memory_space<hbm>>, %arg3: memref<112xi32, #tpu.memory_space<hbm>>, %arg4: memref<9600000xf32, #tpu.memory_space<hbm>>, %arg5: memref<112xi32, #tpu.memory_space<vmem>>, %arg6: memref<4x200x6xf32, #tpu.memory_space<vmem>>, %arg7: memref<24000xf32, #tpu.memory_space<vmem>>, %arg8: memref<!tpu.dma_semaphore, #tpu.memory_space<semaphore_mem>>, %arg9: memref<!tpu.dma_semaphore, #tpu.memory_space<semaphore_mem>>, %arg10: memref<!tpu.dma_semaphore, #tpu.memory_space<semaphore_mem>>, %arg11: memref<!tpu.dma_semaphore, #tpu.memory_space<semaphore_mem>>, %arg12: memref<!tpu.dma_semaphore, #tpu.memory_space<semaphore_mem>>, %arg13: memref<!tpu.dma_semaphore, #tpu.memory_space<semaphore_mem>>) attributes {dimension_semantics = [#tpu.dimension_semantics<core_parallel>, #tpu.dimension_semantics<subcore_parallel>], iteration_bounds = array<i64: 2, 16>, scalar_prefetch = 0 : i64, scratch_operands = 9 : i64, tpu.core_type = #tpu.core_type<sc_vector_subcore>, window_params = [{transform_indices = #map}, {transform_indices = #map1}, {transform_indices = #map1}]} {
    %mul3A = arith.constant 2 : i32
    %mul3A_0 = arith.muli %arg1, %mul3A : i32
    %add3A = arith.addi %mul3A_0, %arg0 : i32
    %jit3A = arith.constant 2 : i32
    %div3A = arith.divsi %add3A, %jit3A : i32
    %sign3A = arith.constant 0 : i32
    %sign3A_1 = arith.cmpi sgt, %add3A, %sign3A : i32
    %sign3A_2 = arith.extui %sign3A_1 : i1 to i32
    %sign3A_3 = arith.constant 0 : i32
    %sign3A_4 = arith.cmpi slt, %add3A, %sign3A_3 : i32
    %sign3A_5 = arith.extui %sign3A_4 : i1 to i32
    %sign3A_6 = arith.subi %sign3A_2, %sign3A_5 : i32
    %sign3A_7 = arith.constant 0 : i32
    %sign3A_8 = arith.cmpi sgt, %jit3A, %sign3A_7 : i32
    %sign3A_9 = arith.extui %sign3A_8 : i1 to i32
    %sign3A_10 = arith.constant 0 : i32
    %sign3A_11 = arith.cmpi slt, %jit3A, %sign3A_10 : i32
    %sign3A_12 = arith.extui %sign3A_11 : i1 to i32
    %sign3A_13 = arith.subi %sign3A_9, %sign3A_12 : i32
    %ne3A = arith.cmpi ne, %sign3A_6, %sign3A_13 : i32
    %rem3A = arith.remsi %add3A, %jit3A : i32
    %ne3A_14 = arith.constant 0 : i32
    %ne3A_15 = arith.cmpi ne, %rem3A, %ne3A_14 : i32
    %and3A = arith.andi %ne3A, %ne3A_15 : i1
    %sub3A = arith.constant 1 : i32
    %sub3A_16 = arith.subi %div3A, %sub3A : i32
    %select_n3A = arith.select %and3A, %sub3A_16, %div3A : i32
    %jit3A_17 = arith.constant 2 : i32
    %eq3A = arith.constant 0 : i32
    %eq3A_18 = arith.cmpi eq, %jit3A_17, %eq3A : i32
    %jit3A_19 = arith.constant 1 : i32
    %select_n3A_20 = arith.select %eq3A_18, %jit3A_19, %jit3A_17 : i32
    %rem3A_21 = arith.remsi %add3A, %select_n3A_20 : i32
    %ne3A_22 = arith.constant 0 : i32
    %ne3A_23 = arith.cmpi ne, %rem3A_21, %ne3A_22 : i32
    %lt3A = arith.constant 0 : i32
    %lt3A_24 = arith.cmpi slt, %rem3A_21, %lt3A : i32
    %lt3A_25 = arith.constant 0 : i32
    %lt3A_26 = arith.cmpi slt, %select_n3A_20, %lt3A_25 : i32
    %ne3A_27 = arith.xori %lt3A_24, %lt3A_26 : i1
    %and3A_28 = arith.andi %ne3A_27, %ne3A_23 : i1
    %add3A_29 = arith.addi %rem3A_21, %select_n3A_20 : i32
    %select_n3A_30 = arith.select %and3A_28, %add3A_29, %rem3A_21 : i32
    %mul3A_31 = arith.constant 50000 : i32
    %mul3A_32 = arith.muli %select_n3A_30, %mul3A_31 : i32
    %mul3A_33 = arith.constant 300000 : i32
    %mul3A_34 = arith.muli %add3A, %mul3A_33 : i32
    "tpu.region"() ({
      %run_scoped3A = tpu.sem_alloc : memref<!tpu.dma_semaphore, #tpu.memory_space<semaphore_mem>>
      tpu.enqueue_dma source(%arg3 : memref<112xi32, #tpu.memory_space<hbm>>) target(%arg5 : memref<112xi32, #tpu.memory_space<vmem>>) target_semaphore(%run_scoped3A : memref<!tpu.dma_semaphore, #tpu.memory_space<semaphore_mem>>)
      tpu.wait_dma2 semaphore(%run_scoped3A : memref<!tpu.dma_semaphore, #tpu.memory_space<semaphore_mem>>) src(%arg3 : memref<112xi32, #tpu.memory_space<hbm>>) dst(%arg5 : memref<112xi32, #tpu.memory_space<vmem>>)
      tpu.yield
    }) : () -> ()
    %get3A = arith.constant 0 : index
    %get3A_35 = tpu.vector_load %arg5[%get3A] {strides = array<i32>} : memref<112xi32, #tpu.memory_space<vmem>>, vector<16xi32>,
    %get3A_36 = arith.constant 16 : index
    %get3A_37 = tpu.vector_load %arg5[%get3A_36] {strides = array<i32>} : memref<112xi32, #tpu.memory_space<vmem>>, vector<16xi32>,
    %get3A_38 = arith.constant 32 : index
    %get3A_39 = tpu.vector_load %arg5[%get3A_38] {strides = array<i32>} : memref<112xi32, #tpu.memory_space<vmem>>, vector<16xi32>,
    %get3A_40 = arith.constant 48 : index
    %get3A_41 = tpu.vector_load %arg5[%get3A_40] {strides = array<i32>} : memref<112xi32, #tpu.memory_space<vmem>>, vector<16xi32>,
    %get3A_42 = arith.constant 64 : index
    %get3A_43 = tpu.vector_load %arg5[%get3A_42] {strides = array<i32>} : memref<112xi32, #tpu.memory_space<vmem>>, vector<16xi32>,
    %get3A_44 = arith.constant 80 : index
    %get3A_45 = tpu.vector_load %arg5[%get3A_44] {strides = array<i32>} : memref<112xi32, #tpu.memory_space<vmem>>, vector<16xi32>,
    %get3A_46 = arith.constant 96 : index
    %get3A_47 = tpu.vector_load %arg5[%get3A_46] {strides = array<i32>} : memref<112xi32, #tpu.memory_space<vmem>>, vector<16xi32>,
    %add3A_48 = arith.constant 0 : i32
    %add3A_49 = arith.addi %mul3A_32, %add3A_48 : i32
    %dma_start3A = arith.constant 0 : i32
    %dma_start3A_50 = arith.constant 0 : i32
    %dma_start3A_51 = arith.constant 0 : i32
    %dma_start3A_52 = tpu.memref_slice %arg6[%dma_start3A, %dma_start3A_50, %dma_start3A_51] : memref<4x200x6xf32, #tpu.memory_space<vmem>> -> memref<1x200x6xf32, #tpu.memory_space<vmem>>
    %dma_start3A_53 = tpu.memref_squeeze %dma_start3A_52 : memref<1x200x6xf32, #tpu.memory_space<vmem>> -> memref<200x6xf32, #tpu.memory_space<vmem>>
    %dma_start3A_54 = arith.constant 0 : i32
    %dma_start3A_55 = tpu.memref_slice %arg2[%select_n3A, %add3A_49, %dma_start3A_54] : memref<16x100000x6xf32, #tpu.memory_space<hbm>> -> memref<1x200x6xf32, #tpu.memory_space<hbm>>
    %dma_start3A_56 = tpu.memref_squeeze %dma_start3A_55 : memref<1x200x6xf32, #tpu.memory_space<hbm>> -> memref<200x6xf32, #tpu.memory_space<hbm>>
    %dma_start3A_57 = arith.constant 0 : i32
    %dma_start3A_58 = arith.constant 0 : i32
    %dma_start3A_59 = tpu.memref_slice %arg6[%dma_start3A, %dma_start3A_57, %dma_start3A_58] : memref<4x200x6xf32, #tpu.memory_space<vmem>> -> memref<1x200x6xf32, #tpu.memory_space<vmem>>
    %dma_start3A_60 = tpu.memref_squeeze %dma_start3A_59 : memref<1x200x6xf32, #tpu.memory_space<vmem>> -> memref<200x6xf32, #tpu.memory_space<vmem>>
    %dma_start3A_61 = arith.constant 0 : i32
    %dma_start3A_62 = tpu.memref_slice %arg2[%select_n3A, %add3A_49, %dma_start3A_61] : memref<16x100000x6xf32, #tpu.memory_space<hbm>> -> memref<1x200x6xf32, #tpu.memory_space<hbm>>
    %dma_start3A_63 = tpu.memref_squeeze %dma_start3A_62 : memref<1x200x6xf32, #tpu.memory_space<hbm>> -> memref<200x6xf32, #tpu.memory_space<hbm>>
    tpu.enqueue_dma source(%dma_start3A_63 : memref<200x6xf32, #tpu.memory_space<hbm>>) target(%dma_start3A_60 : memref<200x6xf32, #tpu.memory_space<vmem>>) target_semaphore(%arg8 : memref<!tpu.dma_semaphore, #tpu.memory_space<semaphore_mem>>)
    %add3A_64 = arith.constant 200 : i32
    %add3A_65 = arith.addi %mul3A_32, %add3A_64 : i32
    %dma_start3A_66 = arith.constant 1 : i32
    %dma_start3A_67 = arith.constant 0 : i32
    %dma_start3A_68 = arith.constant 0 : i32
    %dma_start3A_69 = tpu.memref_slice %arg6[%dma_start3A_66, %dma_start3A_67, %dma_start3A_68] : memref<4x200x6xf32, #tpu.memory_space<vmem>> -> memref<1x200x6xf32, #tpu.memory_space<vmem>>
    %dma_start3A_70 = tpu.memref_squeeze %dma_start3A_69 : memref<1x200x6xf32, #tpu.memory_space<vmem>> -> memref<200x6xf32, #tpu.memory_space<vmem>>
    %dma_start3A_71 = arith.constant 0 : i32
    %dma_start3A_72 = tpu.memref_slice %arg2[%select_n3A, %add3A_65, %dma_start3A_71] : memref<16x100000x6xf32, #tpu.memory_space<hbm>> -> memref<1x200x6xf32, #tpu.memory_space<hbm>>
    %dma_start3A_73 = tpu.memref_squeeze %dma_start3A_72 : memref<1x200x6xf32, #tpu.memory_space<hbm>> -> memref<200x6xf32, #tpu.memory_space<hbm>>
    %dma_start3A_74 = arith.constant 0 : i32
    %dma_start3A_75 = arith.constant 0 : i32
    %dma_start3A_76 = tpu.memref_slice %arg6[%dma_start3A_66, %dma_start3A_74, %dma_start3A_75] : memref<4x200x6xf32, #tpu.memory_space<vmem>> -> memref<1x200x6xf32, #tpu.memory_space<vmem>>
    %dma_start3A_77 = tpu.memref_squeeze %dma_start3A_76 : memref<1x200x6xf32, #tpu.memory_space<vmem>> -> memref<200x6xf32, #tpu.memory_space<vmem>>
    %dma_start3A_78 = arith.constant 0 : i32
    %dma_start3A_79 = tpu.memref_slice %arg2[%select_n3A, %add3A_65, %dma_start3A_78] : memref<16x100000x6xf32, #tpu.memory_space<hbm>> -> memref<1x200x6xf32, #tpu.memory_space<hbm>>
    %dma_start3A_80 = tpu.memref_squeeze %dma_start3A_79 : memref<1x200x6xf32, #tpu.memory_space<hbm>> -> memref<200x6xf32, #tpu.memory_space<hbm>>
    tpu.enqueue_dma source(%dma_start3A_80 : memref<200x6xf32, #tpu.memory_space<hbm>>) target(%dma_start3A_77 : memref<200x6xf32, #tpu.memory_space<vmem>>) target_semaphore(%arg9 : memref<!tpu.dma_semaphore, #tpu.memory_space<semaphore_mem>>)
    %add3A_81 = arith.constant 400 : i32
    %add3A_82 = arith.addi %mul3A_32, %add3A_81 : i32
    %dma_start3A_83 = arith.constant 2 : i32
    %dma_start3A_84 = arith.constant 0 : i32
    %dma_start3A_85 = arith.constant 0 : i32
    %dma_start3A_86 = tpu.memref_slice %arg6[%dma_start3A_83, %dma_start3A_84, %dma_start3A_85] : memref<4x200x6xf32, #tpu.memory_space<vmem>> -> memref<1x200x6xf32, #tpu.memory_space<vmem>>
    %dma_start3A_87 = tpu.memref_squeeze %dma_start3A_86 : memref<1x200x6xf32, #tpu.memory_space<vmem>> -> memref<200x6xf32, #tpu.memory_space<vmem>>
    %dma_start3A_88 = arith.constant 0 : i32
    %dma_start3A_89 = tpu.memref_slice %arg2[%select_n3A, %add3A_82, %dma_start3A_88] : memref<16x100000x6xf32, #tpu.memory_space<hbm>> -> memref<1x200x6xf32, #tpu.memory_space<hbm>>
    %dma_start3A_90 = tpu.memref_squeeze %dma_start3A_89 : memref<1x200x6xf32, #tpu.memory_space<hbm>> -> memref<200x6xf32, #tpu.memory_space<hbm>>
    %dma_start3A_91 = arith.constant 0 : i32
    %dma_start3A_92 = arith.constant 0 : i32
    %dma_start3A_93 = tpu.memref_slice %arg6[%dma_start3A_83, %dma_start3A_91, %dma_start3A_92] : memref<4x200x6xf32, #tpu.memory_space<vmem>> -> memref<1x200x6xf32, #tpu.memory_space<vmem>>
    %dma_start3A_94 = tpu.memref_squeeze %dma_start3A_93 : memref<1x200x6xf32, #tpu.memory_space<vmem>> -> memref<200x6xf32, #tpu.memory_space<vmem>>
    %dma_start3A_95 = arith.constant 0 : i32
    %dma_start3A_96 = tpu.memref_slice %arg2[%select_n3A, %add3A_82, %dma_start3A_95] : memref<16x100000x6xf32, #tpu.memory_space<hbm>> -> memref<1x200x6xf32, #tpu.memory_space<hbm>>
    %dma_start3A_97 = tpu.memref_squeeze %dma_start3A_96 : memref<1x200x6xf32, #tpu.memory_space<hbm>> -> memref<200x6xf32, #tpu.memory_space<hbm>>
    tpu.enqueue_dma source(%dma_start3A_97 : memref<200x6xf32, #tpu.memory_space<hbm>>) target(%dma_start3A_94 : memref<200x6xf32, #tpu.memory_space<vmem>>) target_semaphore(%arg10 : memref<!tpu.dma_semaphore, #tpu.memory_space<semaphore_mem>>)
    %scan3A = arith.constant 0 : i32
    %scan3A_98 = arith.constant 0 : i32
    %scan3A_99 = arith.constant 250 : i32
    %scan3A_100 = arith.addi %scan3A_98, %scan3A_99 : i32
    %scan3A_101 = arith.constant 1 : i32
    scf.for %scan3A_114 = %scan3A_98 to %scan3A_100 step %scan3A_101  : i32 {
      %rem3A_115 = arith.constant 4 : i32
      %rem3A_116 = arith.remsi %scan3A_114, %rem3A_115 : i32
      %add3A_117 = arith.constant 4 : i32
      %add3A_118 = arith.addi %scan3A_114, %add3A_117 : i32
      %sub3A_119 = arith.constant 1 : i32
      %sub3A_120 = arith.subi %add3A_118, %sub3A_119 : i32
      %rem3A_121 = arith.constant 4 : i32
      %rem3A_122 = arith.remsi %sub3A_120, %rem3A_121 : i32
      %lt3A_123 = arith.constant 250 : i32
      %lt3A_124 = arith.cmpi slt, %sub3A_120, %lt3A_123 : i32
      %eq3A_125 = arith.constant 0 : i32
      %eq3A_126 = arith.cmpi eq, %rem3A_122, %eq3A_125 : i32
      %and3A_127 = arith.andi %lt3A_124, %eq3A_126 : i1
      %convert_element_type3A = arith.extui %and3A_127 : i1 to i32
      %cond3A = arith.constant 0 : i32
      %cond3A_128 = arith.cmpi ne, %convert_element_type3A, %cond3A : i32
      scf.if %cond3A_128 {
        %mul3A_1001 = arith.constant 200 : i32
        %mul3A_1002 = arith.muli %sub3A_120, %mul3A_1001 : i32
        %add3A_1003 = arith.addi %mul3A_32, %mul3A_1002 : i32
        %dma_start3A_1004 = arith.constant 0 : i32
        %dma_start3A_1005 = arith.constant 0 : i32
        %dma_start3A_1006 = arith.constant 0 : i32
        %dma_start3A_1007 = tpu.memref_slice %arg6[%dma_start3A_1004, %dma_start3A_1005, %dma_start3A_1006] : memref<4x200x6xf32, #tpu.memory_space<vmem>> -> memref<1x200x6xf32, #tpu.memory_space<vmem>>
        %dma_start3A_1008 = tpu.memref_squeeze %dma_start3A_1007 : memref<1x200x6xf32, #tpu.memory_space<vmem>> -> memref<200x6xf32, #tpu.memory_space<vmem>>
        %dma_start3A_1009 = arith.constant 0 : i32
        %dma_start3A_1010 = tpu.memref_slice %arg2[%select_n3A, %add3A_1003, %dma_start3A_1009] : memref<16x100000x6xf32, #tpu.memory_space<hbm>> -> memref<1x200x6xf32, #tpu.memory_space<hbm>>
        %dma_start3A_1011 = tpu.memref_squeeze %dma_start3A_1010 : memref<1x200x6xf32, #tpu.memory_space<hbm>> -> memref<200x6xf32, #tpu.memory_space<hbm>>
        %dma_start3A_1012 = arith.constant 0 : i32
        %dma_start3A_1013 = arith.constant 0 : i32
        %dma_start3A_1014 = tpu.memref_slice %arg6[%dma_start3A_1004, %dma_start3A_1012, %dma_start3A_1013] : memref<4x200x6xf32, #tpu.memory_space<vmem>> -> memref<1x200x6xf32, #tpu.memory_space<vmem>>
        %dma_start3A_1015 = tpu.memref_squeeze %dma_start3A_1014 : memref<1x200x6xf32, #tpu.memory_space<vmem>> -> memref<200x6xf32, #tpu.memory_space<vmem>>
        %dma_start3A_1016 = arith.constant 0 : i32
        %dma_start3A_1017 = tpu.memref_slice %arg2[%select_n3A, %add3A_1003, %dma_start3A_1016] : memref<16x100000x6xf32, #tpu.memory_space<hbm>> -> memref<1x200x6xf32, #tpu.memory_space<hbm>>
        %dma_start3A_1018 = tpu.memref_squeeze %dma_start3A_1017 : memref<1x200x6xf32, #tpu.memory_space<hbm>> -> memref<200x6xf32, #tpu.memory_space<hbm>>
        tpu.enqueue_dma source(%dma_start3A_1018 : memref<200x6xf32, #tpu.memory_space<hbm>>) target(%dma_start3A_1015 : memref<200x6xf32, #tpu.memory_space<vmem>>) target_semaphore(%arg8 : memref<!tpu.dma_semaphore, #tpu.memory_space<semaphore_mem>>)
      } else {
      }
      %lt3A_129 = arith.constant 250 : i32
      %lt3A_130 = arith.cmpi slt, %sub3A_120, %lt3A_129 : i32
      %eq3A_131 = arith.constant 1 : i32
      %eq3A_132 = arith.cmpi eq, %rem3A_122, %eq3A_131 : i32
      %and3A_133 = arith.andi %lt3A_130, %eq3A_132 : i1
      %convert_element_type3A_134 = arith.extui %and3A_133 : i1 to i32
      %cond3A_135 = arith.constant 0 : i32
      %cond3A_136 = arith.cmpi ne, %convert_element_type3A_134, %cond3A_135 : i32
      scf.if %cond3A_136 {
        %mul3A_1001 = arith.constant 200 : i32
        %mul3A_1002 = arith.muli %sub3A_120, %mul3A_1001 : i32
        %add3A_1003 = arith.addi %mul3A_32, %mul3A_1002 : i32
        %dma_start3A_1004 = arith.constant 1 : i32
        %dma_start3A_1005 = arith.constant 0 : i32
        %dma_start3A_1006 = arith.constant 0 : i32
        %dma_start3A_1007 = tpu.memref_slice %arg6[%dma_start3A_1004, %dma_start3A_1005, %dma_start3A_1006] : memref<4x200x6xf32, #tpu.memory_space<vmem>> -> memref<1x200x6xf32, #tpu.memory_space<vmem>>
        %dma_start3A_1008 = tpu.memref_squeeze %dma_start3A_1007 : memref<1x200x6xf32, #tpu.memory_space<vmem>> -> memref<200x6xf32, #tpu.memory_space<vmem>>
        %dma_start3A_1009 = arith.constant 0 : i32
        %dma_start3A_1010 = tpu.memref_slice %arg2[%select_n3A, %add3A_1003, %dma_start3A_1009] : memref<16x100000x6xf32, #tpu.memory_space<hbm>> -> memref<1x200x6xf32, #tpu.memory_space<hbm>>
        %dma_start3A_1011 = tpu.memref_squeeze %dma_start3A_1010 : memref<1x200x6xf32, #tpu.memory_space<hbm>> -> memref<200x6xf32, #tpu.memory_space<hbm>>
        %dma_start3A_1012 = arith.constant 0 : i32
        %dma_start3A_1013 = arith.constant 0 : i32
        %dma_start3A_1014 = tpu.memref_slice %arg6[%dma_start3A_1004, %dma_start3A_1012, %dma_start3A_1013] : memref<4x200x6xf32, #tpu.memory_space<vmem>> -> memref<1x200x6xf32, #tpu.memory_space<vmem>>
        %dma_start3A_1015 = tpu.memref_squeeze %dma_start3A_1014 : memref<1x200x6xf32, #tpu.memory_space<vmem>> -> memref<200x6xf32, #tpu.memory_space<vmem>>
        %dma_start3A_1016 = arith.constant 0 : i32
        %dma_start3A_1017 = tpu.memref_slice %arg2[%select_n3A, %add3A_1003, %dma_start3A_1016] : memref<16x100000x6xf32, #tpu.memory_space<hbm>> -> memref<1x200x6xf32, #tpu.memory_space<hbm>>
        %dma_start3A_1018 = tpu.memref_squeeze %dma_start3A_1017 : memref<1x200x6xf32, #tpu.memory_space<hbm>> -> memref<200x6xf32, #tpu.memory_space<hbm>>
        tpu.enqueue_dma source(%dma_start3A_1018 : memref<200x6xf32, #tpu.memory_space<hbm>>) target(%dma_start3A_1015 : memref<200x6xf32, #tpu.memory_space<vmem>>) target_semaphore(%arg9 : memref<!tpu.dma_semaphore, #tpu.memory_space<semaphore_mem>>)
      } else {
      }
      %lt3A_137 = arith.constant 250 : i32
      %lt3A_138 = arith.cmpi slt, %sub3A_120, %lt3A_137 : i32
      %eq3A_139 = arith.constant 2 : i32
      %eq3A_140 = arith.cmpi eq, %rem3A_122, %eq3A_139 : i32
      %and3A_141 = arith.andi %lt3A_138, %eq3A_140 : i1
      %convert_element_type3A_142 = arith.extui %and3A_141 : i1 to i32
      %cond3A_143 = arith.constant 0 : i32
      %cond3A_144 = arith.cmpi ne, %convert_element_type3A_142, %cond3A_143 : i32
      scf.if %cond3A_144 {
        %mul3A_1001 = arith.constant 200 : i32
        %mul3A_1002 = arith.muli %sub3A_120, %mul3A_1001 : i32
        %add3A_1003 = arith.addi %mul3A_32, %mul3A_1002 : i32
        %dma_start3A_1004 = arith.constant 2 : i32
        %dma_start3A_1005 = arith.constant 0 : i32
        %dma_start3A_1006 = arith.constant 0 : i32
        %dma_start3A_1007 = tpu.memref_slice %arg6[%dma_start3A_1004, %dma_start3A_1005, %dma_start3A_1006] : memref<4x200x6xf32, #tpu.memory_space<vmem>> -> memref<1x200x6xf32, #tpu.memory_space<vmem>>
        %dma_start3A_1008 = tpu.memref_squeeze %dma_start3A_1007 : memref<1x200x6xf32, #tpu.memory_space<vmem>> -> memref<200x6xf32, #tpu.memory_space<vmem>>
        %dma_start3A_1009 = arith.constant 0 : i32
        %dma_start3A_1010 = tpu.memref_slice %arg2[%select_n3A, %add3A_1003, %dma_start3A_1009] : memref<16x100000x6xf32, #tpu.memory_space<hbm>> -> memref<1x200x6xf32, #tpu.memory_space<hbm>>
        %dma_start3A_1011 = tpu.memref_squeeze %dma_start3A_1010 : memref<1x200x6xf32, #tpu.memory_space<hbm>> -> memref<200x6xf32, #tpu.memory_space<hbm>>
        %dma_start3A_1012 = arith.constant 0 : i32
        %dma_start3A_1013 = arith.constant 0 : i32
        %dma_start3A_1014 = tpu.memref_slice %arg6[%dma_start3A_1004, %dma_start3A_1012, %dma_start3A_1013] : memref<4x200x6xf32, #tpu.memory_space<vmem>> -> memref<1x200x6xf32, #tpu.memory_space<vmem>>
        %dma_start3A_1015 = tpu.memref_squeeze %dma_start3A_1014 : memref<1x200x6xf32, #tpu.memory_space<vmem>> -> memref<200x6xf32, #tpu.memory_space<vmem>>
        %dma_start3A_1016 = arith.constant 0 : i32
        %dma_start3A_1017 = tpu.memref_slice %arg2[%select_n3A, %add3A_1003, %dma_start3A_1016] : memref<16x100000x6xf32, #tpu.memory_space<hbm>> -> memref<1x200x6xf32, #tpu.memory_space<hbm>>
        %dma_start3A_1018 = tpu.memref_squeeze %dma_start3A_1017 : memref<1x200x6xf32, #tpu.memory_space<hbm>> -> memref<200x6xf32, #tpu.memory_space<hbm>>
        tpu.enqueue_dma source(%dma_start3A_1018 : memref<200x6xf32, #tpu.memory_space<hbm>>) target(%dma_start3A_1015 : memref<200x6xf32, #tpu.memory_space<vmem>>) target_semaphore(%arg10 : memref<!tpu.dma_semaphore, #tpu.memory_space<semaphore_mem>>)
      } else {
      }
      %lt3A_145 = arith.constant 250 : i32
      %lt3A_146 = arith.cmpi slt, %sub3A_120, %lt3A_145 : i32
      %eq3A_147 = arith.constant 3 : i32
      %eq3A_148 = arith.cmpi eq, %rem3A_122, %eq3A_147 : i32
      %and3A_149 = arith.andi %lt3A_146, %eq3A_148 : i1
      %convert_element_type3A_150 = arith.extui %and3A_149 : i1 to i32
      %cond3A_151 = arith.constant 0 : i32
      %cond3A_152 = arith.cmpi ne, %convert_element_type3A_150, %cond3A_151 : i32
      scf.if %cond3A_152 {
        %mul3A_1001 = arith.constant 200 : i32
        %mul3A_1002 = arith.muli %sub3A_120, %mul3A_1001 : i32
        %add3A_1003 = arith.addi %mul3A_32, %mul3A_1002 : i32
        %dma_start3A_1004 = arith.constant 3 : i32
        %dma_start3A_1005 = arith.constant 0 : i32
        %dma_start3A_1006 = arith.constant 0 : i32
        %dma_start3A_1007 = tpu.memref_slice %arg6[%dma_start3A_1004, %dma_start3A_1005, %dma_start3A_1006] : memref<4x200x6xf32, #tpu.memory_space<vmem>> -> memref<1x200x6xf32, #tpu.memory_space<vmem>>
        %dma_start3A_1008 = tpu.memref_squeeze %dma_start3A_1007 : memref<1x200x6xf32, #tpu.memory_space<vmem>> -> memref<200x6xf32, #tpu.memory_space<vmem>>
        %dma_start3A_1009 = arith.constant 0 : i32
        %dma_start3A_1010 = tpu.memref_slice %arg2[%select_n3A, %add3A_1003, %dma_start3A_1009] : memref<16x100000x6xf32, #tpu.memory_space<hbm>> -> memref<1x200x6xf32, #tpu.memory_space<hbm>>
        %dma_start3A_1011 = tpu.memref_squeeze %dma_start3A_1010 : memref<1x200x6xf32, #tpu.memory_space<hbm>> -> memref<200x6xf32, #tpu.memory_space<hbm>>
        %dma_start3A_1012 = arith.constant 0 : i32
        %dma_start3A_1013 = arith.constant 0 : i32
        %dma_start3A_1014 = tpu.memref_slice %arg6[%dma_start3A_1004, %dma_start3A_1012, %dma_start3A_1013] : memref<4x200x6xf32, #tpu.memory_space<vmem>> -> memref<1x200x6xf32, #tpu.memory_space<vmem>>
        %dma_start3A_1015 = tpu.memref_squeeze %dma_start3A_1014 : memref<1x200x6xf32, #tpu.memory_space<vmem>> -> memref<200x6xf32, #tpu.memory_space<vmem>>
        %dma_start3A_1016 = arith.constant 0 : i32
        %dma_start3A_1017 = tpu.memref_slice %arg2[%select_n3A, %add3A_1003, %dma_start3A_1016] : memref<16x100000x6xf32, #tpu.memory_space<hbm>> -> memref<1x200x6xf32, #tpu.memory_space<hbm>>
        %dma_start3A_1018 = tpu.memref_squeeze %dma_start3A_1017 : memref<1x200x6xf32, #tpu.memory_space<hbm>> -> memref<200x6xf32, #tpu.memory_space<hbm>>
        tpu.enqueue_dma source(%dma_start3A_1018 : memref<200x6xf32, #tpu.memory_space<hbm>>) target(%dma_start3A_1015 : memref<200x6xf32, #tpu.memory_space<vmem>>) target_semaphore(%arg11 : memref<!tpu.dma_semaphore, #tpu.memory_space<semaphore_mem>>)
      } else {
      }
      %eq3A_153 = arith.constant 0 : i32
      %eq3A_154 = arith.cmpi eq, %rem3A_116, %eq3A_153 : i32
      %convert_element_type3A_155 = arith.extui %eq3A_154 : i1 to i32
      %cond3A_156 = arith.constant 0 : i32
      %cond3A_157 = arith.cmpi ne, %convert_element_type3A_155, %cond3A_156 : i32
      scf.if %cond3A_157 {
        %dma_wait3A_1001 = arith.constant 0 : i32
        %dma_wait3A_1002 = arith.constant 0 : i32
        %dma_wait3A_1003 = arith.constant 0 : i32
        %dma_wait3A_1004 = tpu.memref_slice %arg6[%dma_wait3A_1001, %dma_wait3A_1002, %dma_wait3A_1003] : memref<4x200x6xf32, #tpu.memory_space<vmem>> -> memref<1x200x6xf32, #tpu.memory_space<vmem>>
        %dma_wait3A_1005 = tpu.memref_squeeze %dma_wait3A_1004 : memref<1x200x6xf32, #tpu.memory_space<vmem>> -> memref<200x6xf32, #tpu.memory_space<vmem>>
        %dma_wait3A_1006 = arith.constant 0 : i32
        %dma_wait3A_1007 = tpu.memref_slice %arg2[%select_n3A, %mul3A_32, %dma_wait3A_1006] : memref<16x100000x6xf32, #tpu.memory_space<hbm>> -> memref<1x200x6xf32, #tpu.memory_space<hbm>>
        %dma_wait3A_1008 = tpu.memref_squeeze %dma_wait3A_1007 : memref<1x200x6xf32, #tpu.memory_space<hbm>> -> memref<200x6xf32, #tpu.memory_space<hbm>>
        %dma_wait3A_1009 = arith.constant 0 : i32
        %dma_wait3A_1010 = arith.constant 0 : i32
        %dma_wait3A_1011 = tpu.memref_slice %arg6[%dma_wait3A_1001, %dma_wait3A_1009, %dma_wait3A_1010] : memref<4x200x6xf32, #tpu.memory_space<vmem>> -> memref<1x200x6xf32, #tpu.memory_space<vmem>>
        %dma_wait3A_1012 = tpu.memref_squeeze %dma_wait3A_1011 : memref<1x200x6xf32, #tpu.memory_space<vmem>> -> memref<200x6xf32, #tpu.memory_space<vmem>>
        %dma_wait3A_1013 = arith.constant 0 : i32
        %dma_wait3A_1014 = tpu.memref_slice %arg2[%select_n3A, %mul3A_32, %dma_wait3A_1013] : memref<16x100000x6xf32, #tpu.memory_space<hbm>> -> memref<1x200x6xf32, #tpu.memory_space<hbm>>
        %dma_wait3A_1015 = tpu.memref_squeeze %dma_wait3A_1014 : memref<1x200x6xf32, #tpu.memory_space<hbm>> -> memref<200x6xf32, #tpu.memory_space<hbm>>
        tpu.wait_dma2 semaphore(%arg8 : memref<!tpu.dma_semaphore, #tpu.memory_space<semaphore_mem>>) src(%dma_wait3A_1015 : memref<200x6xf32, #tpu.memory_space<hbm>>) dst(%dma_wait3A_1012 : memref<200x6xf32, #tpu.memory_space<vmem>>)
      } else {
      }
      %eq3A_158 = arith.constant 1 : i32
      %eq3A_159 = arith.cmpi eq, %rem3A_116, %eq3A_158 : i32
      %convert_element_type3A_160 = arith.extui %eq3A_159 : i1 to i32
      %cond3A_161 = arith.constant 0 : i32
      %cond3A_162 = arith.cmpi ne, %convert_element_type3A_160, %cond3A_161 : i32
      scf.if %cond3A_162 {
        %dma_wait3A_1001 = arith.constant 1 : i32
        %dma_wait3A_1002 = arith.constant 0 : i32
        %dma_wait3A_1003 = arith.constant 0 : i32
        %dma_wait3A_1004 = tpu.memref_slice %arg6[%dma_wait3A_1001, %dma_wait3A_1002, %dma_wait3A_1003] : memref<4x200x6xf32, #tpu.memory_space<vmem>> -> memref<1x200x6xf32, #tpu.memory_space<vmem>>
        %dma_wait3A_1005 = tpu.memref_squeeze %dma_wait3A_1004 : memref<1x200x6xf32, #tpu.memory_space<vmem>> -> memref<200x6xf32, #tpu.memory_space<vmem>>
        %dma_wait3A_1006 = arith.constant 0 : i32
        %dma_wait3A_1007 = tpu.memref_slice %arg2[%select_n3A, %mul3A_32, %dma_wait3A_1006] : memref<16x100000x6xf32, #tpu.memory_space<hbm>> -> memref<1x200x6xf32, #tpu.memory_space<hbm>>
        %dma_wait3A_1008 = tpu.memref_squeeze %dma_wait3A_1007 : memref<1x200x6xf32, #tpu.memory_space<hbm>> -> memref<200x6xf32, #tpu.memory_space<hbm>>
        %dma_wait3A_1009 = arith.constant 0 : i32
        %dma_wait3A_1010 = arith.constant 0 : i32
        %dma_wait3A_1011 = tpu.memref_slice %arg6[%dma_wait3A_1001, %dma_wait3A_1009, %dma_wait3A_1010] : memref<4x200x6xf32, #tpu.memory_space<vmem>> -> memref<1x200x6xf32, #tpu.memory_space<vmem>>
        %dma_wait3A_1012 = tpu.memref_squeeze %dma_wait3A_1011 : memref<1x200x6xf32, #tpu.memory_space<vmem>> -> memref<200x6xf32, #tpu.memory_space<vmem>>
        %dma_wait3A_1013 = arith.constant 0 : i32
        %dma_wait3A_1014 = tpu.memref_slice %arg2[%select_n3A, %mul3A_32, %dma_wait3A_1013] : memref<16x100000x6xf32, #tpu.memory_space<hbm>> -> memref<1x200x6xf32, #tpu.memory_space<hbm>>
        %dma_wait3A_1015 = tpu.memref_squeeze %dma_wait3A_1014 : memref<1x200x6xf32, #tpu.memory_space<hbm>> -> memref<200x6xf32, #tpu.memory_space<hbm>>
        tpu.wait_dma2 semaphore(%arg9 : memref<!tpu.dma_semaphore, #tpu.memory_space<semaphore_mem>>) src(%dma_wait3A_1015 : memref<200x6xf32, #tpu.memory_space<hbm>>) dst(%dma_wait3A_1012 : memref<200x6xf32, #tpu.memory_space<vmem>>)
      } else {
      }
      %eq3A_163 = arith.constant 2 : i32
      %eq3A_164 = arith.cmpi eq, %rem3A_116, %eq3A_163 : i32
      %convert_element_type3A_165 = arith.extui %eq3A_164 : i1 to i32
      %cond3A_166 = arith.constant 0 : i32
      %cond3A_167 = arith.cmpi ne, %convert_element_type3A_165, %cond3A_166 : i32
      scf.if %cond3A_167 {
        %dma_wait3A_1001 = arith.constant 2 : i32
        %dma_wait3A_1002 = arith.constant 0 : i32
        %dma_wait3A_1003 = arith.constant 0 : i32
        %dma_wait3A_1004 = tpu.memref_slice %arg6[%dma_wait3A_1001, %dma_wait3A_1002, %dma_wait3A_1003] : memref<4x200x6xf32, #tpu.memory_space<vmem>> -> memref<1x200x6xf32, #tpu.memory_space<vmem>>
        %dma_wait3A_1005 = tpu.memref_squeeze %dma_wait3A_1004 : memref<1x200x6xf32, #tpu.memory_space<vmem>> -> memref<200x6xf32, #tpu.memory_space<vmem>>
        %dma_wait3A_1006 = arith.constant 0 : i32
        %dma_wait3A_1007 = tpu.memref_slice %arg2[%select_n3A, %mul3A_32, %dma_wait3A_1006] : memref<16x100000x6xf32, #tpu.memory_space<hbm>> -> memref<1x200x6xf32, #tpu.memory_space<hbm>>
        %dma_wait3A_1008 = tpu.memref_squeeze %dma_wait3A_1007 : memref<1x200x6xf32, #tpu.memory_space<hbm>> -> memref<200x6xf32, #tpu.memory_space<hbm>>
        %dma_wait3A_1009 = arith.constant 0 : i32
        %dma_wait3A_1010 = arith.constant 0 : i32
        %dma_wait3A_1011 = tpu.memref_slice %arg6[%dma_wait3A_1001, %dma_wait3A_1009, %dma_wait3A_1010] : memref<4x200x6xf32, #tpu.memory_space<vmem>> -> memref<1x200x6xf32, #tpu.memory_space<vmem>>
        %dma_wait3A_1012 = tpu.memref_squeeze %dma_wait3A_1011 : memref<1x200x6xf32, #tpu.memory_space<vmem>> -> memref<200x6xf32, #tpu.memory_space<vmem>>
        %dma_wait3A_1013 = arith.constant 0 : i32
        %dma_wait3A_1014 = tpu.memref_slice %arg2[%select_n3A, %mul3A_32, %dma_wait3A_1013] : memref<16x100000x6xf32, #tpu.memory_space<hbm>> -> memref<1x200x6xf32, #tpu.memory_space<hbm>>
        %dma_wait3A_1015 = tpu.memref_squeeze %dma_wait3A_1014 : memref<1x200x6xf32, #tpu.memory_space<hbm>> -> memref<200x6xf32, #tpu.memory_space<hbm>>
        tpu.wait_dma2 semaphore(%arg10 : memref<!tpu.dma_semaphore, #tpu.memory_space<semaphore_mem>>) src(%dma_wait3A_1015 : memref<200x6xf32, #tpu.memory_space<hbm>>) dst(%dma_wait3A_1012 : memref<200x6xf32, #tpu.memory_space<vmem>>)
      } else {
      }
      %eq3A_168 = arith.constant 3 : i32
      %eq3A_169 = arith.cmpi eq, %rem3A_116, %eq3A_168 : i32
      %convert_element_type3A_170 = arith.extui %eq3A_169 : i1 to i32
      %cond3A_171 = arith.constant 0 : i32
      %cond3A_172 = arith.cmpi ne, %convert_element_type3A_170, %cond3A_171 : i32
      scf.if %cond3A_172 {
        %dma_wait3A_1001 = arith.constant 3 : i32
        %dma_wait3A_1002 = arith.constant 0 : i32
        %dma_wait3A_1003 = arith.constant 0 : i32
        %dma_wait3A_1004 = tpu.memref_slice %arg6[%dma_wait3A_1001, %dma_wait3A_1002, %dma_wait3A_1003] : memref<4x200x6xf32, #tpu.memory_space<vmem>> -> memref<1x200x6xf32, #tpu.memory_space<vmem>>
        %dma_wait3A_1005 = tpu.memref_squeeze %dma_wait3A_1004 : memref<1x200x6xf32, #tpu.memory_space<vmem>> -> memref<200x6xf32, #tpu.memory_space<vmem>>
        %dma_wait3A_1006 = arith.constant 0 : i32
        %dma_wait3A_1007 = tpu.memref_slice %arg2[%select_n3A, %mul3A_32, %dma_wait3A_1006] : memref<16x100000x6xf32, #tpu.memory_space<hbm>> -> memref<1x200x6xf32, #tpu.memory_space<hbm>>
        %dma_wait3A_1008 = tpu.memref_squeeze %dma_wait3A_1007 : memref<1x200x6xf32, #tpu.memory_space<hbm>> -> memref<200x6xf32, #tpu.memory_space<hbm>>
        %dma_wait3A_1009 = arith.constant 0 : i32
        %dma_wait3A_1010 = arith.constant 0 : i32
        %dma_wait3A_1011 = tpu.memref_slice %arg6[%dma_wait3A_1001, %dma_wait3A_1009, %dma_wait3A_1010] : memref<4x200x6xf32, #tpu.memory_space<vmem>> -> memref<1x200x6xf32, #tpu.memory_space<vmem>>
        %dma_wait3A_1012 = tpu.memref_squeeze %dma_wait3A_1011 : memref<1x200x6xf32, #tpu.memory_space<vmem>> -> memref<200x6xf32, #tpu.memory_space<vmem>>
        %dma_wait3A_1013 = arith.constant 0 : i32
        %dma_wait3A_1014 = tpu.memref_slice %arg2[%select_n3A, %mul3A_32, %dma_wait3A_1013] : memref<16x100000x6xf32, #tpu.memory_space<hbm>> -> memref<1x200x6xf32, #tpu.memory_space<hbm>>
        %dma_wait3A_1015 = tpu.memref_squeeze %dma_wait3A_1014 : memref<1x200x6xf32, #tpu.memory_space<hbm>> -> memref<200x6xf32, #tpu.memory_space<hbm>>
        tpu.wait_dma2 semaphore(%arg11 : memref<!tpu.dma_semaphore, #tpu.memory_space<semaphore_mem>>) src(%dma_wait3A_1015 : memref<200x6xf32, #tpu.memory_space<hbm>>) dst(%dma_wait3A_1012 : memref<200x6xf32, #tpu.memory_space<vmem>>)
      } else {
      }
      %jit3A_173 = arith.constant 10 : i32
      %div3A_174 = arith.divsi %scan3A_114, %jit3A_173 : i32
      %sign3A_175 = arith.constant 0 : i32
      %sign3A_176 = arith.cmpi sgt, %scan3A_114, %sign3A_175 : i32
      %sign3A_177 = arith.extui %sign3A_176 : i1 to i32
      %sign3A_178 = arith.constant 0 : i32
      %sign3A_179 = arith.cmpi slt, %scan3A_114, %sign3A_178 : i32
      %sign3A_180 = arith.extui %sign3A_179 : i1 to i32
      %sign3A_181 = arith.subi %sign3A_177, %sign3A_180 : i32
      %sign3A_182 = arith.constant 0 : i32
      %sign3A_183 = arith.cmpi sgt, %jit3A_173, %sign3A_182 : i32
      %sign3A_184 = arith.extui %sign3A_183 : i1 to i32
      %sign3A_185 = arith.constant 0 : i32
      %sign3A_186 = arith.cmpi slt, %jit3A_173, %sign3A_185 : i32
      %sign3A_187 = arith.extui %sign3A_186 : i1 to i32
      %sign3A_188 = arith.subi %sign3A_184, %sign3A_187 : i32
      %ne3A_189 = arith.cmpi ne, %sign3A_181, %sign3A_188 : i32
      %rem3A_190 = arith.remsi %scan3A_114, %jit3A_173 : i32
      %ne3A_191 = arith.constant 0 : i32
      %ne3A_192 = arith.cmpi ne, %rem3A_190, %ne3A_191 : i32
      %and3A_193 = arith.andi %ne3A_189, %ne3A_192 : i1
      %sub3A_194 = arith.constant 1 : i32
      %sub3A_195 = arith.subi %div3A_174, %sub3A_194 : i32
      %select_n3A_196 = arith.select %and3A_193, %sub3A_195, %div3A_174 : i32
      %rem3A_197 = arith.constant 2 : i32
      %rem3A_198 = arith.remsi %select_n3A_196, %rem3A_197 : i32
      %rem3A_199 = arith.constant 10 : i32
      %rem3A_200 = arith.remsi %scan3A_114, %rem3A_199 : i32
      %eq3A_201 = arith.constant 0 : i32
      %eq3A_202 = arith.cmpi eq, %rem3A_200, %eq3A_201 : i32
      %ge3A = arith.constant 2 : i32
      %ge3A_203 = arith.cmpi sge, %select_n3A_196, %ge3A : i32
      %eq3A_204 = arith.constant 0 : i32
      %eq3A_205 = arith.cmpi eq, %rem3A_198, %eq3A_204 : i32
      %and3A_206 = arith.andi %ge3A_203, %eq3A_205 : i1
      %and3A_207 = arith.andi %eq3A_202, %and3A_206 : i1
      %convert_element_type3A_208 = arith.extui %and3A_207 : i1 to i32
      %cond3A_209 = arith.constant 0 : i32
      %cond3A_210 = arith.cmpi ne, %convert_element_type3A_208, %cond3A_209 : i32
      scf.if %cond3A_210 {
        %dma_wait3A_1001 = arith.constant 0 : i32
        %dma_wait3A_1002 = tpu.memref_slice %arg7[%dma_wait3A_1001] : memref<24000xf32, #tpu.memory_space<vmem>> -> memref<12000xf32, #tpu.memory_space<vmem>>
        %dma_wait3A_1003 = tpu.memref_slice %arg4[%mul3A_34] : memref<9600000xf32, #tpu.memory_space<hbm>> -> memref<12000xf32, #tpu.memory_space<hbm>>
        %dma_wait3A_1004 = tpu.memref_slice %arg4[%mul3A_34] : memref<9600000xf32, #tpu.memory_space<hbm>> -> memref<12000xf32, #tpu.memory_space<hbm>>
        %dma_wait3A_1005 = arith.constant 0 : i32
        %dma_wait3A_1006 = tpu.memref_slice %arg7[%dma_wait3A_1005] : memref<24000xf32, #tpu.memory_space<vmem>> -> memref<12000xf32, #tpu.memory_space<vmem>>
        tpu.wait_dma2 semaphore(%arg12 : memref<!tpu.dma_semaphore, #tpu.memory_space<semaphore_mem>>) src(%dma_wait3A_1006 : memref<12000xf32, #tpu.memory_space<vmem>>) dst(%dma_wait3A_1004 : memref<12000xf32, #tpu.memory_space<hbm>>)
      } else {
      }
      %rem3A_211 = arith.constant 10 : i32
      %rem3A_212 = arith.remsi %scan3A_114, %rem3A_211 : i32
      %eq3A_213 = arith.constant 0 : i32
      %eq3A_214 = arith.cmpi eq, %rem3A_212, %eq3A_213 : i32
      %ge3A_215 = arith.constant 2 : i32
      %ge3A_216 = arith.cmpi sge, %select_n3A_196, %ge3A_215 : i32
      %eq3A_217 = arith.constant 1 : i32
      %eq3A_218 = arith.cmpi eq, %rem3A_198, %eq3A_217 : i32
      %and3A_219 = arith.andi %ge3A_216, %eq3A_218 : i1
      %and3A_220 = arith.andi %eq3A_214, %and3A_219 : i1
      %convert_element_type3A_221 = arith.extui %and3A_220 : i1 to i32
      %cond3A_222 = arith.constant 0 : i32
      %cond3A_223 = arith.cmpi ne, %convert_element_type3A_221, %cond3A_222 : i32
      scf.if %cond3A_223 {
        %dma_wait3A_1001 = arith.constant 0 : i32
        %dma_wait3A_1002 = tpu.memref_slice %arg7[%dma_wait3A_1001] : memref<24000xf32, #tpu.memory_space<vmem>> -> memref<12000xf32, #tpu.memory_space<vmem>>
        %dma_wait3A_1003 = tpu.memref_slice %arg4[%mul3A_34] : memref<9600000xf32, #tpu.memory_space<hbm>> -> memref<12000xf32, #tpu.memory_space<hbm>>
        %dma_wait3A_1004 = tpu.memref_slice %arg4[%mul3A_34] : memref<9600000xf32, #tpu.memory_space<hbm>> -> memref<12000xf32, #tpu.memory_space<hbm>>
        %dma_wait3A_1005 = arith.constant 0 : i32
        %dma_wait3A_1006 = tpu.memref_slice %arg7[%dma_wait3A_1005] : memref<24000xf32, #tpu.memory_space<vmem>> -> memref<12000xf32, #tpu.memory_space<vmem>>
        tpu.wait_dma2 semaphore(%arg13 : memref<!tpu.dma_semaphore, #tpu.memory_space<semaphore_mem>>) src(%dma_wait3A_1006 : memref<12000xf32, #tpu.memory_space<vmem>>) dst(%dma_wait3A_1004 : memref<12000xf32, #tpu.memory_space<hbm>>)
      } else {
      }
      %add3A_224 = vector.broadcast %rem3A_116 : i32 to vector<16xi32>
      %add3A_225 = arith.addi %get3A_47, %add3A_224 : vector<16xi32>
      %mul3A_226 = arith.constant 12000 : i32
      %mul3A_227 = arith.muli %rem3A_198, %mul3A_226 : i32
      %rem3A_228 = arith.constant 10 : i32
      %rem3A_229 = arith.remsi %scan3A_114, %rem3A_228 : i32
      %mul3A_230 = arith.constant 1200 : i32
      %mul3A_231 = arith.muli %rem3A_229, %mul3A_230 : i32
      %add3A_232 = arith.addi %mul3A_227, %mul3A_231 : i32
      %add3A_233 = arith.constant 0 : i32
      %add3A_234 = vector.broadcast %add3A_233 : i32 to vector<16xi32>
      %add3A_235 = arith.addi %get3A_35, %add3A_234 : vector<16xi32>
      %gather3A = tpu.vector_load_idx %arg6[%add3A_225, %add3A_235, %get3A_37] : memref<4x200x6xf32, #tpu.memory_space<vmem>>[vector<16xi32>, vector<16xi32>, vector<16xi32>], vector<16xf32>,
      %add3A_236 = arith.constant 0 : i32
      %add3A_237 = arith.addi %add3A_232, %add3A_236 : i32
      %add3A_238 = arith.constant 0 : i32
      %add3A_239 = arith.addi %add3A_237, %add3A_238 : i32
      %swap3A = arith.index_cast %add3A_239 : i32 to index
      %swap3A_240 = tpu.vector_load %arg7[%swap3A] {strides = array<i32>} : memref<24000xf32, #tpu.memory_space<vmem>>, vector<16xf32>,
      tpu.vector_store %arg7[%swap3A], %gather3A {strides = array<i32>} : memref<24000xf32, #tpu.memory_space<vmem>>, vector<16xf32>,
      %add3A_241 = arith.constant 0 : i32
      %add3A_242 = vector.broadcast %add3A_241 : i32 to vector<16xi32>
      %add3A_243 = arith.addi %get3A_39, %add3A_242 : vector<16xi32>
      %gather3A_244 = tpu.vector_load_idx %arg6[%add3A_225, %add3A_243, %get3A_41] : memref<4x200x6xf32, #tpu.memory_space<vmem>>[vector<16xi32>, vector<16xi32>, vector<16xi32>], vector<16xf32>,
      %add3A_245 = arith.constant 0 : i32
      %add3A_246 = arith.addi %add3A_232, %add3A_245 : i32
      %add3A_247 = arith.constant 16 : i32
      %add3A_248 = arith.addi %add3A_246, %add3A_247 : i32
      %swap3A_249 = arith.index_cast %add3A_248 : i32 to index
      %swap3A_250 = tpu.vector_load %arg7[%swap3A_249] {strides = array<i32>} : memref<24000xf32, #tpu.memory_space<vmem>>, vector<16xf32>,
      tpu.vector_store %arg7[%swap3A_249], %gather3A_244 {strides = array<i32>} : memref<24000xf32, #tpu.memory_space<vmem>>, vector<16xf32>,
      %add3A_251 = arith.constant 0 : i32
      %add3A_252 = vector.broadcast %add3A_251 : i32 to vector<16xi32>
      %add3A_253 = arith.addi %get3A_43, %add3A_252 : vector<16xi32>
      %gather3A_254 = tpu.vector_load_idx %arg6[%add3A_225, %add3A_253, %get3A_45] : memref<4x200x6xf32, #tpu.memory_space<vmem>>[vector<16xi32>, vector<16xi32>, vector<16xi32>], vector<16xf32>,
      %add3A_255 = arith.constant 0 : i32
      %add3A_256 = arith.addi %add3A_232, %add3A_255 : i32
      %add3A_257 = arith.constant 32 : i32
      %add3A_258 = arith.addi %add3A_256, %add3A_257 : i32
      %swap3A_259 = arith.index_cast %add3A_258 : i32 to index
      %swap3A_260 = tpu.vector_load %arg7[%swap3A_259] {strides = array<i32>} : memref<24000xf32, #tpu.memory_space<vmem>>, vector<16xf32>,
      tpu.vector_store %arg7[%swap3A_259], %gather3A_254 {strides = array<i32>} : memref<24000xf32, #tpu.memory_space<vmem>>, vector<16xf32>,
      %add3A_261 = arith.constant 8 : i32
      %add3A_262 = vector.broadcast %add3A_261 : i32 to vector<16xi32>
      %add3A_263 = arith.addi %get3A_35, %add3A_262 : vector<16xi32>
      %gather3A_264 = tpu.vector_load_idx %arg6[%add3A_225, %add3A_263, %get3A_37] : memref<4x200x6xf32, #tpu.memory_space<vmem>>[vector<16xi32>, vector<16xi32>, vector<16xi32>], vector<16xf32>,
      %add3A_265 = arith.constant 48 : i32
      %add3A_266 = arith.addi %add3A_232, %add3A_265 : i32
      %add3A_267 = arith.constant 0 : i32
      %add3A_268 = arith.addi %add3A_266, %add3A_267 : i32
      %swap3A_269 = arith.index_cast %add3A_268 : i32 to index
      %swap3A_270 = tpu.vector_load %arg7[%swap3A_269] {strides = array<i32>} : memref<24000xf32, #tpu.memory_space<vmem>>, vector<16xf32>,
      tpu.vector_store %arg7[%swap3A_269], %gather3A_264 {strides = array<i32>} : memref<24000xf32, #tpu.memory_space<vmem>>, vector<16xf32>,
      %add3A_271 = arith.constant 8 : i32
      %add3A_272 = vector.broadcast %add3A_271 : i32 to vector<16xi32>
      %add3A_273 = arith.addi %get3A_39, %add3A_272 : vector<16xi32>
      %gather3A_274 = tpu.vector_load_idx %arg6[%add3A_225, %add3A_273, %get3A_41] : memref<4x200x6xf32, #tpu.memory_space<vmem>>[vector<16xi32>, vector<16xi32>, vector<16xi32>], vector<16xf32>,
      %add3A_275 = arith.constant 48 : i32
      %add3A_276 = arith.addi %add3A_232, %add3A_275 : i32
      %add3A_277 = arith.constant 16 : i32
      %add3A_278 = arith.addi %add3A_276, %add3A_277 : i32
      %swap3A_279 = arith.index_cast %add3A_278 : i32 to index
      %swap3A_280 = tpu.vector_load %arg7[%swap3A_279] {strides = array<i32>} : memref<24000xf32, #tpu.memory_space<vmem>>, vector<16xf32>,
      tpu.vector_store %arg7[%swap3A_279], %gather3A_274 {strides = array<i32>} : memref<24000xf32, #tpu.memory_space<vmem>>, vector<16xf32>,
      %add3A_281 = arith.constant 8 : i32
      %add3A_282 = vector.broadcast %add3A_281 : i32 to vector<16xi32>
      %add3A_283 = arith.addi %get3A_43, %add3A_282 : vector<16xi32>
      %gather3A_284 = tpu.vector_load_idx %arg6[%add3A_225, %add3A_283, %get3A_45] : memref<4x200x6xf32, #tpu.memory_space<vmem>>[vector<16xi32>, vector<16xi32>, vector<16xi32>], vector<16xf32>,
      %add3A_285 = arith.constant 48 : i32
      %add3A_286 = arith.addi %add3A_232, %add3A_285 : i32
      %add3A_287 = arith.constant 32 : i32
      %add3A_288 = arith.addi %add3A_286, %add3A_287 : i32
      %swap3A_289 = arith.index_cast %add3A_288 : i32 to index
      %swap3A_290 = tpu.vector_load %arg7[%swap3A_289] {strides = array<i32>} : memref<24000xf32, #tpu.memory_space<vmem>>, vector<16xf32>,
      tpu.vector_store %arg7[%swap3A_289], %gather3A_284 {strides = array<i32>} : memref<24000xf32, #tpu.memory_space<vmem>>, vector<16xf32>,
      %add3A_291 = arith.constant 16 : i32
      %add3A_292 = vector.broadcast %add3A_291 : i32 to vector<16xi32>
      %add3A_293 = arith.addi %get3A_35, %add3A_292 : vector<16xi32>
      %gather3A_294 = tpu.vector_load_idx %arg6[%add3A_225, %add3A_293, %get3A_37] : memref<4x200x6xf32, #tpu.memory_space<vmem>>[vector<16xi32>, vector<16xi32>, vector<16xi32>], vector<16xf32>,
      %add3A_295 = arith.constant 96 : i32
      %add3A_296 = arith.addi %add3A_232, %add3A_295 : i32
      %add3A_297 = arith.constant 0 : i32
      %add3A_298 = arith.addi %add3A_296, %add3A_297 : i32
      %swap3A_299 = arith.index_cast %add3A_298 : i32 to index
      %swap3A_300 = tpu.vector_load %arg7[%swap3A_299] {strides = array<i32>} : memref<24000xf32, #tpu.memory_space<vmem>>, vector<16xf32>,
      tpu.vector_store %arg7[%swap3A_299], %gather3A_294 {strides = array<i32>} : memref<24000xf32, #tpu.memory_space<vmem>>, vector<16xf32>,
      %add3A_301 = arith.constant 16 : i32
      %add3A_302 = vector.broadcast %add3A_301 : i32 to vector<16xi32>
      %add3A_303 = arith.addi %get3A_39, %add3A_302 : vector<16xi32>
      %gather3A_304 = tpu.vector_load_idx %arg6[%add3A_225, %add3A_303, %get3A_41] : memref<4x200x6xf32, #tpu.memory_space<vmem>>[vector<16xi32>, vector<16xi32>, vector<16xi32>], vector<16xf32>,
      %add3A_305 = arith.constant 96 : i32
      %add3A_306 = arith.addi %add3A_232, %add3A_305 : i32
      %add3A_307 = arith.constant 16 : i32
      %add3A_308 = arith.addi %add3A_306, %add3A_307 : i32
      %swap3A_309 = arith.index_cast %add3A_308 : i32 to index
      %swap3A_310 = tpu.vector_load %arg7[%swap3A_309] {strides = array<i32>} : memref<24000xf32, #tpu.memory_space<vmem>>, vector<16xf32>,
      tpu.vector_store %arg7[%swap3A_309], %gather3A_304 {strides = array<i32>} : memref<24000xf32, #tpu.memory_space<vmem>>, vector<16xf32>,
      %add3A_311 = arith.constant 16 : i32
      %add3A_312 = vector.broadcast %add3A_311 : i32 to vector<16xi32>
      %add3A_313 = arith.addi %get3A_43, %add3A_312 : vector<16xi32>
      %gather3A_314 = tpu.vector_load_idx %arg6[%add3A_225, %add3A_313, %get3A_45] : memref<4x200x6xf32, #tpu.memory_space<vmem>>[vector<16xi32>, vector<16xi32>, vector<16xi32>], vector<16xf32>,
      %add3A_315 = arith.constant 96 : i32
      %add3A_316 = arith.addi %add3A_232, %add3A_315 : i32
      %add3A_317 = arith.constant 32 : i32
      %add3A_318 = arith.addi %add3A_316, %add3A_317 : i32
      %swap3A_319 = arith.index_cast %add3A_318 : i32 to index
      %swap3A_320 = tpu.vector_load %arg7[%swap3A_319] {strides = array<i32>} : memref<24000xf32, #tpu.memory_space<vmem>>, vector<16xf32>,
      tpu.vector_store %arg7[%swap3A_319], %gather3A_314 {strides = array<i32>} : memref<24000xf32, #tpu.memory_space<vmem>>, vector<16xf32>,
      %add3A_321 = arith.constant 24 : i32
      %add3A_322 = vector.broadcast %add3A_321 : i32 to vector<16xi32>
      %add3A_323 = arith.addi %get3A_35, %add3A_322 : vector<16xi32>
      %gather3A_324 = tpu.vector_load_idx %arg6[%add3A_225, %add3A_323, %get3A_37] : memref<4x200x6xf32, #tpu.memory_space<vmem>>[vector<16xi32>, vector<16xi32>, vector<16xi32>], vector<16xf32>,
      %add3A_325 = arith.constant 144 : i32
      %add3A_326 = arith.addi %add3A_232, %add3A_325 : i32
      %add3A_327 = arith.constant 0 : i32
      %add3A_328 = arith.addi %add3A_326, %add3A_327 : i32
      %swap3A_329 = arith.index_cast %add3A_328 : i32 to index
      %swap3A_330 = tpu.vector_load %arg7[%swap3A_329] {strides = array<i32>} : memref<24000xf32, #tpu.memory_space<vmem>>, vector<16xf32>,
      tpu.vector_store %arg7[%swap3A_329], %gather3A_324 {strides = array<i32>} : memref<24000xf32, #tpu.memory_space<vmem>>, vector<16xf32>,
      %add3A_331 = arith.constant 24 : i32
      %add3A_332 = vector.broadcast %add3A_331 : i32 to vector<16xi32>
      %add3A_333 = arith.addi %get3A_39, %add3A_332 : vector<16xi32>
      %gather3A_334 = tpu.vector_load_idx %arg6[%add3A_225, %add3A_333, %get3A_41] : memref<4x200x6xf32, #tpu.memory_space<vmem>>[vector<16xi32>, vector<16xi32>, vector<16xi32>], vector<16xf32>,
      %add3A_335 = arith.constant 144 : i32
      %add3A_336 = arith.addi %add3A_232, %add3A_335 : i32
      %add3A_337 = arith.constant 16 : i32
      %add3A_338 = arith.addi %add3A_336, %add3A_337 : i32
      %swap3A_339 = arith.index_cast %add3A_338 : i32 to index
      %swap3A_340 = tpu.vector_load %arg7[%swap3A_339] {strides = array<i32>} : memref<24000xf32, #tpu.memory_space<vmem>>, vector<16xf32>,
      tpu.vector_store %arg7[%swap3A_339], %gather3A_334 {strides = array<i32>} : memref<24000xf32, #tpu.memory_space<vmem>>, vector<16xf32>,
      %add3A_341 = arith.constant 24 : i32
      %add3A_342 = vector.broadcast %add3A_341 : i32 to vector<16xi32>
      %add3A_343 = arith.addi %get3A_43, %add3A_342 : vector<16xi32>
      %gather3A_344 = tpu.vector_load_idx %arg6[%add3A_225, %add3A_343, %get3A_45] : memref<4x200x6xf32, #tpu.memory_space<vmem>>[vector<16xi32>, vector<16xi32>, vector<16xi32>], vector<16xf32>,
      %add3A_345 = arith.constant 144 : i32
      %add3A_346 = arith.addi %add3A_232, %add3A_345 : i32
      %add3A_347 = arith.constant 32 : i32
      %add3A_348 = arith.addi %add3A_346, %add3A_347 : i32
      %swap3A_349 = arith.index_cast %add3A_348 : i32 to index
      %swap3A_350 = tpu.vector_load %arg7[%swap3A_349] {strides = array<i32>} : memref<24000xf32, #tpu.memory_space<vmem>>, vector<16xf32>,
      tpu.vector_store %arg7[%swap3A_349], %gather3A_344 {strides = array<i32>} : memref<24000xf32, #tpu.memory_space<vmem>>, vector<16xf32>,
      %add3A_351 = arith.constant 32 : i32
      %add3A_352 = vector.broadcast %add3A_351 : i32 to vector<16xi32>
      %add3A_353 = arith.addi %get3A_35, %add3A_352 : vector<16xi32>
      %gather3A_354 = tpu.vector_load_idx %arg6[%add3A_225, %add3A_353, %get3A_37] : memref<4x200x6xf32, #tpu.memory_space<vmem>>[vector<16xi32>, vector<16xi32>, vector<16xi32>], vector<16xf32>,
      %add3A_355 = arith.constant 192 : i32
      %add3A_356 = arith.addi %add3A_232, %add3A_355 : i32
      %add3A_357 = arith.constant 0 : i32
      %add3A_358 = arith.addi %add3A_356, %add3A_357 : i32
      %swap3A_359 = arith.index_cast %add3A_358 : i32 to index
      %swap3A_360 = tpu.vector_load %arg7[%swap3A_359] {strides = array<i32>} : memref<24000xf32, #tpu.memory_space<vmem>>, vector<16xf32>,
      tpu.vector_store %arg7[%swap3A_359], %gather3A_354 {strides = array<i32>} : memref<24000xf32, #tpu.memory_space<vmem>>, vector<16xf32>,
      %add3A_361 = arith.constant 32 : i32
      %add3A_362 = vector.broadcast %add3A_361 : i32 to vector<16xi32>
      %add3A_363 = arith.addi %get3A_39, %add3A_362 : vector<16xi32>
      %gather3A_364 = tpu.vector_load_idx %arg6[%add3A_225, %add3A_363, %get3A_41] : memref<4x200x6xf32, #tpu.memory_space<vmem>>[vector<16xi32>, vector<16xi32>, vector<16xi32>], vector<16xf32>,
      %add3A_365 = arith.constant 192 : i32
      %add3A_366 = arith.addi %add3A_232, %add3A_365 : i32
      %add3A_367 = arith.constant 16 : i32
      %add3A_368 = arith.addi %add3A_366, %add3A_367 : i32
      %swap3A_369 = arith.index_cast %add3A_368 : i32 to index
      %swap3A_370 = tpu.vector_load %arg7[%swap3A_369] {strides = array<i32>} : memref<24000xf32, #tpu.memory_space<vmem>>, vector<16xf32>,
      tpu.vector_store %arg7[%swap3A_369], %gather3A_364 {strides = array<i32>} : memref<24000xf32, #tpu.memory_space<vmem>>, vector<16xf32>,
      %add3A_371 = arith.constant 32 : i32
      %add3A_372 = vector.broadcast %add3A_371 : i32 to vector<16xi32>
      %add3A_373 = arith.addi %get3A_43, %add3A_372 : vector<16xi32>
      %gather3A_374 = tpu.vector_load_idx %arg6[%add3A_225, %add3A_373, %get3A_45] : memref<4x200x6xf32, #tpu.memory_space<vmem>>[vector<16xi32>, vector<16xi32>, vector<16xi32>], vector<16xf32>,
      %add3A_375 = arith.constant 192 : i32
      %add3A_376 = arith.addi %add3A_232, %add3A_375 : i32
      %add3A_377 = arith.constant 32 : i32
      %add3A_378 = arith.addi %add3A_376, %add3A_377 : i32
      %swap3A_379 = arith.index_cast %add3A_378 : i32 to index
      %swap3A_380 = tpu.vector_load %arg7[%swap3A_379] {strides = array<i32>} : memref<24000xf32, #tpu.memory_space<vmem>>, vector<16xf32>,
      tpu.vector_store %arg7[%swap3A_379], %gather3A_374 {strides = array<i32>} : memref<24000xf32, #tpu.memory_space<vmem>>, vector<16xf32>,
      %add3A_381 = arith.constant 40 : i32
      %add3A_382 = vector.broadcast %add3A_381 : i32 to vector<16xi32>
      %add3A_383 = arith.addi %get3A_35, %add3A_382 : vector<16xi32>
      %gather3A_384 = tpu.vector_load_idx %arg6[%add3A_225, %add3A_383, %get3A_37] : memref<4x200x6xf32, #tpu.memory_space<vmem>>[vector<16xi32>, vector<16xi32>, vector<16xi32>], vector<16xf32>,
      %add3A_385 = arith.constant 240 : i32
      %add3A_386 = arith.addi %add3A_232, %add3A_385 : i32
      %add3A_387 = arith.constant 0 : i32
      %add3A_388 = arith.addi %add3A_386, %add3A_387 : i32
      %swap3A_389 = arith.index_cast %add3A_388 : i32 to index
      %swap3A_390 = tpu.vector_load %arg7[%swap3A_389] {strides = array<i32>} : memref<24000xf32, #tpu.memory_space<vmem>>, vector<16xf32>,
      tpu.vector_store %arg7[%swap3A_389], %gather3A_384 {strides = array<i32>} : memref<24000xf32, #tpu.memory_space<vmem>>, vector<16xf32>,
      %add3A_391 = arith.constant 40 : i32
      %add3A_392 = vector.broadcast %add3A_391 : i32 to vector<16xi32>
      %add3A_393 = arith.addi %get3A_39, %add3A_392 : vector<16xi32>
      %gather3A_394 = tpu.vector_load_idx %arg6[%add3A_225, %add3A_393, %get3A_41] : memref<4x200x6xf32, #tpu.memory_space<vmem>>[vector<16xi32>, vector<16xi32>, vector<16xi32>], vector<16xf32>,
      %add3A_395 = arith.constant 240 : i32
      %add3A_396 = arith.addi %add3A_232, %add3A_395 : i32
      %add3A_397 = arith.constant 16 : i32
      %add3A_398 = arith.addi %add3A_396, %add3A_397 : i32
      %swap3A_399 = arith.index_cast %add3A_398 : i32 to index
      %swap3A_400 = tpu.vector_load %arg7[%swap3A_399] {strides = array<i32>} : memref<24000xf32, #tpu.memory_space<vmem>>, vector<16xf32>,
      tpu.vector_store %arg7[%swap3A_399], %gather3A_394 {strides = array<i32>} : memref<24000xf32, #tpu.memory_space<vmem>>, vector<16xf32>,
      %add3A_401 = arith.constant 40 : i32
      %add3A_402 = vector.broadcast %add3A_401 : i32 to vector<16xi32>
      %add3A_403 = arith.addi %get3A_43, %add3A_402 : vector<16xi32>
      %gather3A_404 = tpu.vector_load_idx %arg6[%add3A_225, %add3A_403, %get3A_45] : memref<4x200x6xf32, #tpu.memory_space<vmem>>[vector<16xi32>, vector<16xi32>, vector<16xi32>], vector<16xf32>,
      %add3A_405 = arith.constant 240 : i32
      %add3A_406 = arith.addi %add3A_232, %add3A_405 : i32
      %add3A_407 = arith.constant 32 : i32
      %add3A_408 = arith.addi %add3A_406, %add3A_407 : i32
      %swap3A_409 = arith.index_cast %add3A_408 : i32 to index
      %swap3A_410 = tpu.vector_load %arg7[%swap3A_409] {strides = array<i32>} : memref<24000xf32, #tpu.memory_space<vmem>>, vector<16xf32>,
      tpu.vector_store %arg7[%swap3A_409], %gather3A_404 {strides = array<i32>} : memref<24000xf32, #tpu.memory_space<vmem>>, vector<16xf32>,
      %add3A_411 = arith.constant 48 : i32
      %add3A_412 = vector.broadcast %add3A_411 : i32 to vector<16xi32>
      %add3A_413 = arith.addi %get3A_35, %add3A_412 : vector<16xi32>
      %gather3A_414 = tpu.vector_load_idx %arg6[%add3A_225, %add3A_413, %get3A_37] : memref<4x200x6xf32, #tpu.memory_space<vmem>>[vector<16xi32>, vector<16xi32>, vector<16xi32>], vector<16xf32>,
      %add3A_415 = arith.constant 288 : i32
      %add3A_416 = arith.addi %add3A_232, %add3A_415 : i32
      %add3A_417 = arith.constant 0 : i32
      %add3A_418 = arith.addi %add3A_416, %add3A_417 : i32
      %swap3A_419 = arith.index_cast %add3A_418 : i32 to index
      %swap3A_420 = tpu.vector_load %arg7[%swap3A_419] {strides = array<i32>} : memref<24000xf32, #tpu.memory_space<vmem>>, vector<16xf32>,
      tpu.vector_store %arg7[%swap3A_419], %gather3A_414 {strides = array<i32>} : memref<24000xf32, #tpu.memory_space<vmem>>, vector<16xf32>,
      %add3A_421 = arith.constant 48 : i32
      %add3A_422 = vector.broadcast %add3A_421 : i32 to vector<16xi32>
      %add3A_423 = arith.addi %get3A_39, %add3A_422 : vector<16xi32>
      %gather3A_424 = tpu.vector_load_idx %arg6[%add3A_225, %add3A_423, %get3A_41] : memref<4x200x6xf32, #tpu.memory_space<vmem>>[vector<16xi32>, vector<16xi32>, vector<16xi32>], vector<16xf32>,
      %add3A_425 = arith.constant 288 : i32
      %add3A_426 = arith.addi %add3A_232, %add3A_425 : i32
      %add3A_427 = arith.constant 16 : i32
      %add3A_428 = arith.addi %add3A_426, %add3A_427 : i32
      %swap3A_429 = arith.index_cast %add3A_428 : i32 to index
      %swap3A_430 = tpu.vector_load %arg7[%swap3A_429] {strides = array<i32>} : memref<24000xf32, #tpu.memory_space<vmem>>, vector<16xf32>,
      tpu.vector_store %arg7[%swap3A_429], %gather3A_424 {strides = array<i32>} : memref<24000xf32, #tpu.memory_space<vmem>>, vector<16xf32>,
      %add3A_431 = arith.constant 48 : i32
      %add3A_432 = vector.broadcast %add3A_431 : i32 to vector<16xi32>
      %add3A_433 = arith.addi %get3A_43, %add3A_432 : vector<16xi32>
      %gather3A_434 = tpu.vector_load_idx %arg6[%add3A_225, %add3A_433, %get3A_45] : memref<4x200x6xf32, #tpu.memory_space<vmem>>[vector<16xi32>, vector<16xi32>, vector<16xi32>], vector<16xf32>,
      %add3A_435 = arith.constant 288 : i32
      %add3A_436 = arith.addi %add3A_232, %add3A_435 : i32
      %add3A_437 = arith.constant 32 : i32
      %add3A_438 = arith.addi %add3A_436, %add3A_437 : i32
      %swap3A_439 = arith.index_cast %add3A_438 : i32 to index
      %swap3A_440 = tpu.vector_load %arg7[%swap3A_439] {strides = array<i32>} : memref<24000xf32, #tpu.memory_space<vmem>>, vector<16xf32>,
      tpu.vector_store %arg7[%swap3A_439], %gather3A_434 {strides = array<i32>} : memref<24000xf32, #tpu.memory_space<vmem>>, vector<16xf32>,
      %add3A_441 = arith.constant 56 : i32
      %add3A_442 = vector.broadcast %add3A_441 : i32 to vector<16xi32>
      %add3A_443 = arith.addi %get3A_35, %add3A_442 : vector<16xi32>
      %gather3A_444 = tpu.vector_load_idx %arg6[%add3A_225, %add3A_443, %get3A_37] : memref<4x200x6xf32, #tpu.memory_space<vmem>>[vector<16xi32>, vector<16xi32>, vector<16xi32>], vector<16xf32>,
      %add3A_445 = arith.constant 336 : i32
      %add3A_446 = arith.addi %add3A_232, %add3A_445 : i32
      %add3A_447 = arith.constant 0 : i32
      %add3A_448 = arith.addi %add3A_446, %add3A_447 : i32
      %swap3A_449 = arith.index_cast %add3A_448 : i32 to index
      %swap3A_450 = tpu.vector_load %arg7[%swap3A_449] {strides = array<i32>} : memref<24000xf32, #tpu.memory_space<vmem>>, vector<16xf32>,
      tpu.vector_store %arg7[%swap3A_449], %gather3A_444 {strides = array<i32>} : memref<24000xf32, #tpu.memory_space<vmem>>, vector<16xf32>,
      %add3A_451 = arith.constant 56 : i32
      %add3A_452 = vector.broadcast %add3A_451 : i32 to vector<16xi32>
      %add3A_453 = arith.addi %get3A_39, %add3A_452 : vector<16xi32>
      %gather3A_454 = tpu.vector_load_idx %arg6[%add3A_225, %add3A_453, %get3A_41] : memref<4x200x6xf32, #tpu.memory_space<vmem>>[vector<16xi32>, vector<16xi32>, vector<16xi32>], vector<16xf32>,
      %add3A_455 = arith.constant 336 : i32
      %add3A_456 = arith.addi %add3A_232, %add3A_455 : i32
      %add3A_457 = arith.constant 16 : i32
      %add3A_458 = arith.addi %add3A_456, %add3A_457 : i32
      %swap3A_459 = arith.index_cast %add3A_458 : i32 to index
      %swap3A_460 = tpu.vector_load %arg7[%swap3A_459] {strides = array<i32>} : memref<24000xf32, #tpu.memory_space<vmem>>, vector<16xf32>,
      tpu.vector_store %arg7[%swap3A_459], %gather3A_454 {strides = array<i32>} : memref<24000xf32, #tpu.memory_space<vmem>>, vector<16xf32>,
      %add3A_461 = arith.constant 56 : i32
      %add3A_462 = vector.broadcast %add3A_461 : i32 to vector<16xi32>
      %add3A_463 = arith.addi %get3A_43, %add3A_462 : vector<16xi32>
      %gather3A_464 = tpu.vector_load_idx %arg6[%add3A_225, %add3A_463, %get3A_45] : memref<4x200x6xf32, #tpu.memory_space<vmem>>[vector<16xi32>, vector<16xi32>, vector<16xi32>], vector<16xf32>,
      %add3A_465 = arith.constant 336 : i32
      %add3A_466 = arith.addi %add3A_232, %add3A_465 : i32
      %add3A_467 = arith.constant 32 : i32
      %add3A_468 = arith.addi %add3A_466, %add3A_467 : i32
      %swap3A_469 = arith.index_cast %add3A_468 : i32 to index
      %swap3A_470 = tpu.vector_load %arg7[%swap3A_469] {strides = array<i32>} : memref<24000xf32, #tpu.memory_space<vmem>>, vector<16xf32>,
      tpu.vector_store %arg7[%swap3A_469], %gather3A_464 {strides = array<i32>} : memref<24000xf32, #tpu.memory_space<vmem>>, vector<16xf32>,
      %add3A_471 = arith.constant 64 : i32
      %add3A_472 = vector.broadcast %add3A_471 : i32 to vector<16xi32>
      %add3A_473 = arith.addi %get3A_35, %add3A_472 : vector<16xi32>
      %gather3A_474 = tpu.vector_load_idx %arg6[%add3A_225, %add3A_473, %get3A_37] : memref<4x200x6xf32, #tpu.memory_space<vmem>>[vector<16xi32>, vector<16xi32>, vector<16xi32>], vector<16xf32>,
      %add3A_475 = arith.constant 384 : i32
      %add3A_476 = arith.addi %add3A_232, %add3A_475 : i32
      %add3A_477 = arith.constant 0 : i32
      %add3A_478 = arith.addi %add3A_476, %add3A_477 : i32
      %swap3A_479 = arith.index_cast %add3A_478 : i32 to index
      %swap3A_480 = tpu.vector_load %arg7[%swap3A_479] {strides = array<i32>} : memref<24000xf32, #tpu.memory_space<vmem>>, vector<16xf32>,
      tpu.vector_store %arg7[%swap3A_479], %gather3A_474 {strides = array<i32>} : memref<24000xf32, #tpu.memory_space<vmem>>, vector<16xf32>,
      %add3A_481 = arith.constant 64 : i32
      %add3A_482 = vector.broadcast %add3A_481 : i32 to vector<16xi32>
      %add3A_483 = arith.addi %get3A_39, %add3A_482 : vector<16xi32>
      %gather3A_484 = tpu.vector_load_idx %arg6[%add3A_225, %add3A_483, %get3A_41] : memref<4x200x6xf32, #tpu.memory_space<vmem>>[vector<16xi32>, vector<16xi32>, vector<16xi32>], vector<16xf32>,
      %add3A_485 = arith.constant 384 : i32
      %add3A_486 = arith.addi %add3A_232, %add3A_485 : i32
      %add3A_487 = arith.constant 16 : i32
      %add3A_488 = arith.addi %add3A_486, %add3A_487 : i32
      %swap3A_489 = arith.index_cast %add3A_488 : i32 to index
      %swap3A_490 = tpu.vector_load %arg7[%swap3A_489] {strides = array<i32>} : memref<24000xf32, #tpu.memory_space<vmem>>, vector<16xf32>,
      tpu.vector_store %arg7[%swap3A_489], %gather3A_484 {strides = array<i32>} : memref<24000xf32, #tpu.memory_space<vmem>>, vector<16xf32>,
      %add3A_491 = arith.constant 64 : i32
      %add3A_492 = vector.broadcast %add3A_491 : i32 to vector<16xi32>
      %add3A_493 = arith.addi %get3A_43, %add3A_492 : vector<16xi32>
      %gather3A_494 = tpu.vector_load_idx %arg6[%add3A_225, %add3A_493, %get3A_45] : memref<4x200x6xf32, #tpu.memory_space<vmem>>[vector<16xi32>, vector<16xi32>, vector<16xi32>], vector<16xf32>,
      %add3A_495 = arith.constant 384 : i32
      %add3A_496 = arith.addi %add3A_232, %add3A_495 : i32
      %add3A_497 = arith.constant 32 : i32
      %add3A_498 = arith.addi %add3A_496, %add3A_497 : i32
      %swap3A_499 = arith.index_cast %add3A_498 : i32 to index
      %swap3A_500 = tpu.vector_load %arg7[%swap3A_499] {strides = array<i32>} : memref<24000xf32, #tpu.memory_space<vmem>>, vector<16xf32>,
      tpu.vector_store %arg7[%swap3A_499], %gather3A_494 {strides = array<i32>} : memref<24000xf32, #tpu.memory_space<vmem>>, vector<16xf32>,
      %add3A_501 = arith.constant 72 : i32
      %add3A_502 = vector.broadcast %add3A_501 : i32 to vector<16xi32>
      %add3A_503 = arith.addi %get3A_35, %add3A_502 : vector<16xi32>
      %gather3A_504 = tpu.vector_load_idx %arg6[%add3A_225, %add3A_503, %get3A_37] : memref<4x200x6xf32, #tpu.memory_space<vmem>>[vector<16xi32>, vector<16xi32>, vector<16xi32>], vector<16xf32>,
      %add3A_505 = arith.constant 432 : i32
      %add3A_506 = arith.addi %add3A_232, %add3A_505 : i32
      %add3A_507 = arith.constant 0 : i32
      %add3A_508 = arith.addi %add3A_506, %add3A_507 : i32
      %swap3A_509 = arith.index_cast %add3A_508 : i32 to index
      %swap3A_510 = tpu.vector_load %arg7[%swap3A_509] {strides = array<i32>} : memref<24000xf32, #tpu.memory_space<vmem>>, vector<16xf32>,
      tpu.vector_store %arg7[%swap3A_509], %gather3A_504 {strides = array<i32>} : memref<24000xf32, #tpu.memory_space<vmem>>, vector<16xf32>,
      %add3A_511 = arith.constant 72 : i32
      %add3A_512 = vector.broadcast %add3A_511 : i32 to vector<16xi32>
      %add3A_513 = arith.addi %get3A_39, %add3A_512 : vector<16xi32>
      %gather3A_514 = tpu.vector_load_idx %arg6[%add3A_225, %add3A_513, %get3A_41] : memref<4x200x6xf32, #tpu.memory_space<vmem>>[vector<16xi32>, vector<16xi32>, vector<16xi32>], vector<16xf32>,
      %add3A_515 = arith.constant 432 : i32
      %add3A_516 = arith.addi %add3A_232, %add3A_515 : i32
      %add3A_517 = arith.constant 16 : i32
      %add3A_518 = arith.addi %add3A_516, %add3A_517 : i32
      %swap3A_519 = arith.index_cast %add3A_518 : i32 to index
      %swap3A_520 = tpu.vector_load %arg7[%swap3A_519] {strides = array<i32>} : memref<24000xf32, #tpu.memory_space<vmem>>, vector<16xf32>,
      tpu.vector_store %arg7[%swap3A_519], %gather3A_514 {strides = array<i32>} : memref<24000xf32, #tpu.memory_space<vmem>>, vector<16xf32>,
      %add3A_521 = arith.constant 72 : i32
      %add3A_522 = vector.broadcast %add3A_521 : i32 to vector<16xi32>
      %add3A_523 = arith.addi %get3A_43, %add3A_522 : vector<16xi32>
      %gather3A_524 = tpu.vector_load_idx %arg6[%add3A_225, %add3A_523, %get3A_45] : memref<4x200x6xf32, #tpu.memory_space<vmem>>[vector<16xi32>, vector<16xi32>, vector<16xi32>], vector<16xf32>,
      %add3A_525 = arith.constant 432 : i32
      %add3A_526 = arith.addi %add3A_232, %add3A_525 : i32
      %add3A_527 = arith.constant 32 : i32
      %add3A_528 = arith.addi %add3A_526, %add3A_527 : i32
      %swap3A_529 = arith.index_cast %add3A_528 : i32 to index
      %swap3A_530 = tpu.vector_load %arg7[%swap3A_529] {strides = array<i32>} : memref<24000xf32, #tpu.memory_space<vmem>>, vector<16xf32>,
      tpu.vector_store %arg7[%swap3A_529], %gather3A_524 {strides = array<i32>} : memref<24000xf32, #tpu.memory_space<vmem>>, vector<16xf32>,
      %add3A_531 = arith.constant 80 : i32
      %add3A_532 = vector.broadcast %add3A_531 : i32 to vector<16xi32>
      %add3A_533 = arith.addi %get3A_35, %add3A_532 : vector<16xi32>
      %gather3A_534 = tpu.vector_load_idx %arg6[%add3A_225, %add3A_533, %get3A_37] : memref<4x200x6xf32, #tpu.memory_space<vmem>>[vector<16xi32>, vector<16xi32>, vector<16xi32>], vector<16xf32>,
      %add3A_535 = arith.constant 480 : i32
      %add3A_536 = arith.addi %add3A_232, %add3A_535 : i32
      %add3A_537 = arith.constant 0 : i32
      %add3A_538 = arith.addi %add3A_536, %add3A_537 : i32
      %swap3A_539 = arith.index_cast %add3A_538 : i32 to index
      %swap3A_540 = tpu.vector_load %arg7[%swap3A_539] {strides = array<i32>} : memref<24000xf32, #tpu.memory_space<vmem>>, vector<16xf32>,
      tpu.vector_store %arg7[%swap3A_539], %gather3A_534 {strides = array<i32>} : memref<24000xf32, #tpu.memory_space<vmem>>, vector<16xf32>,
      %add3A_541 = arith.constant 80 : i32
      %add3A_542 = vector.broadcast %add3A_541 : i32 to vector<16xi32>
      %add3A_543 = arith.addi %get3A_39, %add3A_542 : vector<16xi32>
      %gather3A_544 = tpu.vector_load_idx %arg6[%add3A_225, %add3A_543, %get3A_41] : memref<4x200x6xf32, #tpu.memory_space<vmem>>[vector<16xi32>, vector<16xi32>, vector<16xi32>], vector<16xf32>,
      %add3A_545 = arith.constant 480 : i32
      %add3A_546 = arith.addi %add3A_232, %add3A_545 : i32
      %add3A_547 = arith.constant 16 : i32
      %add3A_548 = arith.addi %add3A_546, %add3A_547 : i32
      %swap3A_549 = arith.index_cast %add3A_548 : i32 to index
      %swap3A_550 = tpu.vector_load %arg7[%swap3A_549] {strides = array<i32>} : memref<24000xf32, #tpu.memory_space<vmem>>, vector<16xf32>,
      tpu.vector_store %arg7[%swap3A_549], %gather3A_544 {strides = array<i32>} : memref<24000xf32, #tpu.memory_space<vmem>>, vector<16xf32>,
      %add3A_551 = arith.constant 80 : i32
      %add3A_552 = vector.broadcast %add3A_551 : i32 to vector<16xi32>
      %add3A_553 = arith.addi %get3A_43, %add3A_552 : vector<16xi32>
      %gather3A_554 = tpu.vector_load_idx %arg6[%add3A_225, %add3A_553, %get3A_45] : memref<4x200x6xf32, #tpu.memory_space<vmem>>[vector<16xi32>, vector<16xi32>, vector<16xi32>], vector<16xf32>,
      %add3A_555 = arith.constant 480 : i32
      %add3A_556 = arith.addi %add3A_232, %add3A_555 : i32
      %add3A_557 = arith.constant 32 : i32
      %add3A_558 = arith.addi %add3A_556, %add3A_557 : i32
      %swap3A_559 = arith.index_cast %add3A_558 : i32 to index
      %swap3A_560 = tpu.vector_load %arg7[%swap3A_559] {strides = array<i32>} : memref<24000xf32, #tpu.memory_space<vmem>>, vector<16xf32>,
      tpu.vector_store %arg7[%swap3A_559], %gather3A_554 {strides = array<i32>} : memref<24000xf32, #tpu.memory_space<vmem>>, vector<16xf32>,
      %add3A_561 = arith.constant 88 : i32
      %add3A_562 = vector.broadcast %add3A_561 : i32 to vector<16xi32>
      %add3A_563 = arith.addi %get3A_35, %add3A_562 : vector<16xi32>
      %gather3A_564 = tpu.vector_load_idx %arg6[%add3A_225, %add3A_563, %get3A_37] : memref<4x200x6xf32, #tpu.memory_space<vmem>>[vector<16xi32>, vector<16xi32>, vector<16xi32>], vector<16xf32>,
      %add3A_565 = arith.constant 528 : i32
      %add3A_566 = arith.addi %add3A_232, %add3A_565 : i32
      %add3A_567 = arith.constant 0 : i32
      %add3A_568 = arith.addi %add3A_566, %add3A_567 : i32
      %swap3A_569 = arith.index_cast %add3A_568 : i32 to index
      %swap3A_570 = tpu.vector_load %arg7[%swap3A_569] {strides = array<i32>} : memref<24000xf32, #tpu.memory_space<vmem>>, vector<16xf32>,
      tpu.vector_store %arg7[%swap3A_569], %gather3A_564 {strides = array<i32>} : memref<24000xf32, #tpu.memory_space<vmem>>, vector<16xf32>,
      %add3A_571 = arith.constant 88 : i32
      %add3A_572 = vector.broadcast %add3A_571 : i32 to vector<16xi32>
      %add3A_573 = arith.addi %get3A_39, %add3A_572 : vector<16xi32>
      %gather3A_574 = tpu.vector_load_idx %arg6[%add3A_225, %add3A_573, %get3A_41] : memref<4x200x6xf32, #tpu.memory_space<vmem>>[vector<16xi32>, vector<16xi32>, vector<16xi32>], vector<16xf32>,
      %add3A_575 = arith.constant 528 : i32
      %add3A_576 = arith.addi %add3A_232, %add3A_575 : i32
      %add3A_577 = arith.constant 16 : i32
      %add3A_578 = arith.addi %add3A_576, %add3A_577 : i32
      %swap3A_579 = arith.index_cast %add3A_578 : i32 to index
      %swap3A_580 = tpu.vector_load %arg7[%swap3A_579] {strides = array<i32>} : memref<24000xf32, #tpu.memory_space<vmem>>, vector<16xf32>,
      tpu.vector_store %arg7[%swap3A_579], %gather3A_574 {strides = array<i32>} : memref<24000xf32, #tpu.memory_space<vmem>>, vector<16xf32>,
      %add3A_581 = arith.constant 88 : i32
      %add3A_582 = vector.broadcast %add3A_581 : i32 to vector<16xi32>
      %add3A_583 = arith.addi %get3A_43, %add3A_582 : vector<16xi32>
      %gather3A_584 = tpu.vector_load_idx %arg6[%add3A_225, %add3A_583, %get3A_45] : memref<4x200x6xf32, #tpu.memory_space<vmem>>[vector<16xi32>, vector<16xi32>, vector<16xi32>], vector<16xf32>,
      %add3A_585 = arith.constant 528 : i32
      %add3A_586 = arith.addi %add3A_232, %add3A_585 : i32
      %add3A_587 = arith.constant 32 : i32
      %add3A_588 = arith.addi %add3A_586, %add3A_587 : i32
      %swap3A_589 = arith.index_cast %add3A_588 : i32 to index
      %swap3A_590 = tpu.vector_load %arg7[%swap3A_589] {strides = array<i32>} : memref<24000xf32, #tpu.memory_space<vmem>>, vector<16xf32>,
      tpu.vector_store %arg7[%swap3A_589], %gather3A_584 {strides = array<i32>} : memref<24000xf32, #tpu.memory_space<vmem>>, vector<16xf32>,
      %add3A_591 = arith.constant 96 : i32
      %add3A_592 = vector.broadcast %add3A_591 : i32 to vector<16xi32>
      %add3A_593 = arith.addi %get3A_35, %add3A_592 : vector<16xi32>
      %gather3A_594 = tpu.vector_load_idx %arg6[%add3A_225, %add3A_593, %get3A_37] : memref<4x200x6xf32, #tpu.memory_space<vmem>>[vector<16xi32>, vector<16xi32>, vector<16xi32>], vector<16xf32>,
      %add3A_595 = arith.constant 576 : i32
      %add3A_596 = arith.addi %add3A_232, %add3A_595 : i32
      %add3A_597 = arith.constant 0 : i32
      %add3A_598 = arith.addi %add3A_596, %add3A_597 : i32
      %swap3A_599 = arith.index_cast %add3A_598 : i32 to index
      %swap3A_600 = tpu.vector_load %arg7[%swap3A_599] {strides = array<i32>} : memref<24000xf32, #tpu.memory_space<vmem>>, vector<16xf32>,
      tpu.vector_store %arg7[%swap3A_599], %gather3A_594 {strides = array<i32>} : memref<24000xf32, #tpu.memory_space<vmem>>, vector<16xf32>,
      %add3A_601 = arith.constant 96 : i32
      %add3A_602 = vector.broadcast %add3A_601 : i32 to vector<16xi32>
      %add3A_603 = arith.addi %get3A_39, %add3A_602 : vector<16xi32>
      %gather3A_604 = tpu.vector_load_idx %arg6[%add3A_225, %add3A_603, %get3A_41] : memref<4x200x6xf32, #tpu.memory_space<vmem>>[vector<16xi32>, vector<16xi32>, vector<16xi32>], vector<16xf32>,
      %add3A_605 = arith.constant 576 : i32
      %add3A_606 = arith.addi %add3A_232, %add3A_605 : i32
      %add3A_607 = arith.constant 16 : i32
      %add3A_608 = arith.addi %add3A_606, %add3A_607 : i32
      %swap3A_609 = arith.index_cast %add3A_608 : i32 to index
      %swap3A_610 = tpu.vector_load %arg7[%swap3A_609] {strides = array<i32>} : memref<24000xf32, #tpu.memory_space<vmem>>, vector<16xf32>,
      tpu.vector_store %arg7[%swap3A_609], %gather3A_604 {strides = array<i32>} : memref<24000xf32, #tpu.memory_space<vmem>>, vector<16xf32>,
      %add3A_611 = arith.constant 96 : i32
      %add3A_612 = vector.broadcast %add3A_611 : i32 to vector<16xi32>
      %add3A_613 = arith.addi %get3A_43, %add3A_612 : vector<16xi32>
      %gather3A_614 = tpu.vector_load_idx %arg6[%add3A_225, %add3A_613, %get3A_45] : memref<4x200x6xf32, #tpu.memory_space<vmem>>[vector<16xi32>, vector<16xi32>, vector<16xi32>], vector<16xf32>,
      %add3A_615 = arith.constant 576 : i32
      %add3A_616 = arith.addi %add3A_232, %add3A_615 : i32
      %add3A_617 = arith.constant 32 : i32
      %add3A_618 = arith.addi %add3A_616, %add3A_617 : i32
      %swap3A_619 = arith.index_cast %add3A_618 : i32 to index
      %swap3A_620 = tpu.vector_load %arg7[%swap3A_619] {strides = array<i32>} : memref<24000xf32, #tpu.memory_space<vmem>>, vector<16xf32>,
      tpu.vector_store %arg7[%swap3A_619], %gather3A_614 {strides = array<i32>} : memref<24000xf32, #tpu.memory_space<vmem>>, vector<16xf32>,
      %add3A_621 = arith.constant 104 : i32
      %add3A_622 = vector.broadcast %add3A_621 : i32 to vector<16xi32>
      %add3A_623 = arith.addi %get3A_35, %add3A_622 : vector<16xi32>
      %gather3A_624 = tpu.vector_load_idx %arg6[%add3A_225, %add3A_623, %get3A_37] : memref<4x200x6xf32, #tpu.memory_space<vmem>>[vector<16xi32>, vector<16xi32>, vector<16xi32>], vector<16xf32>,
      %add3A_625 = arith.constant 624 : i32
      %add3A_626 = arith.addi %add3A_232, %add3A_625 : i32
      %add3A_627 = arith.constant 0 : i32
      %add3A_628 = arith.addi %add3A_626, %add3A_627 : i32
      %swap3A_629 = arith.index_cast %add3A_628 : i32 to index
      %swap3A_630 = tpu.vector_load %arg7[%swap3A_629] {strides = array<i32>} : memref<24000xf32, #tpu.memory_space<vmem>>, vector<16xf32>,
      tpu.vector_store %arg7[%swap3A_629], %gather3A_624 {strides = array<i32>} : memref<24000xf32, #tpu.memory_space<vmem>>, vector<16xf32>,
      %add3A_631 = arith.constant 104 : i32
      %add3A_632 = vector.broadcast %add3A_631 : i32 to vector<16xi32>
      %add3A_633 = arith.addi %get3A_39, %add3A_632 : vector<16xi32>
      %gather3A_634 = tpu.vector_load_idx %arg6[%add3A_225, %add3A_633, %get3A_41] : memref<4x200x6xf32, #tpu.memory_space<vmem>>[vector<16xi32>, vector<16xi32>, vector<16xi32>], vector<16xf32>,
      %add3A_635 = arith.constant 624 : i32
      %add3A_636 = arith.addi %add3A_232, %add3A_635 : i32
      %add3A_637 = arith.constant 16 : i32
      %add3A_638 = arith.addi %add3A_636, %add3A_637 : i32
      %swap3A_639 = arith.index_cast %add3A_638 : i32 to index
      %swap3A_640 = tpu.vector_load %arg7[%swap3A_639] {strides = array<i32>} : memref<24000xf32, #tpu.memory_space<vmem>>, vector<16xf32>,
      tpu.vector_store %arg7[%swap3A_639], %gather3A_634 {strides = array<i32>} : memref<24000xf32, #tpu.memory_space<vmem>>, vector<16xf32>,
      %add3A_641 = arith.constant 104 : i32
      %add3A_642 = vector.broadcast %add3A_641 : i32 to vector<16xi32>
      %add3A_643 = arith.addi %get3A_43, %add3A_642 : vector<16xi32>
      %gather3A_644 = tpu.vector_load_idx %arg6[%add3A_225, %add3A_643, %get3A_45] : memref<4x200x6xf32, #tpu.memory_space<vmem>>[vector<16xi32>, vector<16xi32>, vector<16xi32>], vector<16xf32>,
      %add3A_645 = arith.constant 624 : i32
      %add3A_646 = arith.addi %add3A_232, %add3A_645 : i32
      %add3A_647 = arith.constant 32 : i32
      %add3A_648 = arith.addi %add3A_646, %add3A_647 : i32
      %swap3A_649 = arith.index_cast %add3A_648 : i32 to index
      %swap3A_650 = tpu.vector_load %arg7[%swap3A_649] {strides = array<i32>} : memref<24000xf32, #tpu.memory_space<vmem>>, vector<16xf32>,
      tpu.vector_store %arg7[%swap3A_649], %gather3A_644 {strides = array<i32>} : memref<24000xf32, #tpu.memory_space<vmem>>, vector<16xf32>,
      %add3A_651 = arith.constant 112 : i32
      %add3A_652 = vector.broadcast %add3A_651 : i32 to vector<16xi32>
      %add3A_653 = arith.addi %get3A_35, %add3A_652 : vector<16xi32>
      %gather3A_654 = tpu.vector_load_idx %arg6[%add3A_225, %add3A_653, %get3A_37] : memref<4x200x6xf32, #tpu.memory_space<vmem>>[vector<16xi32>, vector<16xi32>, vector<16xi32>], vector<16xf32>,
      %add3A_655 = arith.constant 672 : i32
      %add3A_656 = arith.addi %add3A_232, %add3A_655 : i32
      %add3A_657 = arith.constant 0 : i32
      %add3A_658 = arith.addi %add3A_656, %add3A_657 : i32
      %swap3A_659 = arith.index_cast %add3A_658 : i32 to index
      %swap3A_660 = tpu.vector_load %arg7[%swap3A_659] {strides = array<i32>} : memref<24000xf32, #tpu.memory_space<vmem>>, vector<16xf32>,
      tpu.vector_store %arg7[%swap3A_659], %gather3A_654 {strides = array<i32>} : memref<24000xf32, #tpu.memory_space<vmem>>, vector<16xf32>,
      %add3A_661 = arith.constant 112 : i32
      %add3A_662 = vector.broadcast %add3A_661 : i32 to vector<16xi32>
      %add3A_663 = arith.addi %get3A_39, %add3A_662 : vector<16xi32>
      %gather3A_664 = tpu.vector_load_idx %arg6[%add3A_225, %add3A_663, %get3A_41] : memref<4x200x6xf32, #tpu.memory_space<vmem>>[vector<16xi32>, vector<16xi32>, vector<16xi32>], vector<16xf32>,
      %add3A_665 = arith.constant 672 : i32
      %add3A_666 = arith.addi %add3A_232, %add3A_665 : i32
      %add3A_667 = arith.constant 16 : i32
      %add3A_668 = arith.addi %add3A_666, %add3A_667 : i32
      %swap3A_669 = arith.index_cast %add3A_668 : i32 to index
      %swap3A_670 = tpu.vector_load %arg7[%swap3A_669] {strides = array<i32>} : memref<24000xf32, #tpu.memory_space<vmem>>, vector<16xf32>,
      tpu.vector_store %arg7[%swap3A_669], %gather3A_664 {strides = array<i32>} : memref<24000xf32, #tpu.memory_space<vmem>>, vector<16xf32>,
      %add3A_671 = arith.constant 112 : i32
      %add3A_672 = vector.broadcast %add3A_671 : i32 to vector<16xi32>
      %add3A_673 = arith.addi %get3A_43, %add3A_672 : vector<16xi32>
      %gather3A_674 = tpu.vector_load_idx %arg6[%add3A_225, %add3A_673, %get3A_45] : memref<4x200x6xf32, #tpu.memory_space<vmem>>[vector<16xi32>, vector<16xi32>, vector<16xi32>], vector<16xf32>,
      %add3A_675 = arith.constant 672 : i32
      %add3A_676 = arith.addi %add3A_232, %add3A_675 : i32
      %add3A_677 = arith.constant 32 : i32
      %add3A_678 = arith.addi %add3A_676, %add3A_677 : i32
      %swap3A_679 = arith.index_cast %add3A_678 : i32 to index
      %swap3A_680 = tpu.vector_load %arg7[%swap3A_679] {strides = array<i32>} : memref<24000xf32, #tpu.memory_space<vmem>>, vector<16xf32>,
      tpu.vector_store %arg7[%swap3A_679], %gather3A_674 {strides = array<i32>} : memref<24000xf32, #tpu.memory_space<vmem>>, vector<16xf32>,
      %add3A_681 = arith.constant 120 : i32
      %add3A_682 = vector.broadcast %add3A_681 : i32 to vector<16xi32>
      %add3A_683 = arith.addi %get3A_35, %add3A_682 : vector<16xi32>
      %gather3A_684 = tpu.vector_load_idx %arg6[%add3A_225, %add3A_683, %get3A_37] : memref<4x200x6xf32, #tpu.memory_space<vmem>>[vector<16xi32>, vector<16xi32>, vector<16xi32>], vector<16xf32>,
      %add3A_685 = arith.constant 720 : i32
      %add3A_686 = arith.addi %add3A_232, %add3A_685 : i32
      %add3A_687 = arith.constant 0 : i32
      %add3A_688 = arith.addi %add3A_686, %add3A_687 : i32
      %swap3A_689 = arith.index_cast %add3A_688 : i32 to index
      %swap3A_690 = tpu.vector_load %arg7[%swap3A_689] {strides = array<i32>} : memref<24000xf32, #tpu.memory_space<vmem>>, vector<16xf32>,
      tpu.vector_store %arg7[%swap3A_689], %gather3A_684 {strides = array<i32>} : memref<24000xf32, #tpu.memory_space<vmem>>, vector<16xf32>,
      %add3A_691 = arith.constant 120 : i32
      %add3A_692 = vector.broadcast %add3A_691 : i32 to vector<16xi32>
      %add3A_693 = arith.addi %get3A_39, %add3A_692 : vector<16xi32>
      %gather3A_694 = tpu.vector_load_idx %arg6[%add3A_225, %add3A_693, %get3A_41] : memref<4x200x6xf32, #tpu.memory_space<vmem>>[vector<16xi32>, vector<16xi32>, vector<16xi32>], vector<16xf32>,
      %add3A_695 = arith.constant 720 : i32
      %add3A_696 = arith.addi %add3A_232, %add3A_695 : i32
      %add3A_697 = arith.constant 16 : i32
      %add3A_698 = arith.addi %add3A_696, %add3A_697 : i32
      %swap3A_699 = arith.index_cast %add3A_698 : i32 to index
      %swap3A_700 = tpu.vector_load %arg7[%swap3A_699] {strides = array<i32>} : memref<24000xf32, #tpu.memory_space<vmem>>, vector<16xf32>,
      tpu.vector_store %arg7[%swap3A_699], %gather3A_694 {strides = array<i32>} : memref<24000xf32, #tpu.memory_space<vmem>>, vector<16xf32>,
      %add3A_701 = arith.constant 120 : i32
      %add3A_702 = vector.broadcast %add3A_701 : i32 to vector<16xi32>
      %add3A_703 = arith.addi %get3A_43, %add3A_702 : vector<16xi32>
      %gather3A_704 = tpu.vector_load_idx %arg6[%add3A_225, %add3A_703, %get3A_45] : memref<4x200x6xf32, #tpu.memory_space<vmem>>[vector<16xi32>, vector<16xi32>, vector<16xi32>], vector<16xf32>,
      %add3A_705 = arith.constant 720 : i32
      %add3A_706 = arith.addi %add3A_232, %add3A_705 : i32
      %add3A_707 = arith.constant 32 : i32
      %add3A_708 = arith.addi %add3A_706, %add3A_707 : i32
      %swap3A_709 = arith.index_cast %add3A_708 : i32 to index
      %swap3A_710 = tpu.vector_load %arg7[%swap3A_709] {strides = array<i32>} : memref<24000xf32, #tpu.memory_space<vmem>>, vector<16xf32>,
      tpu.vector_store %arg7[%swap3A_709], %gather3A_704 {strides = array<i32>} : memref<24000xf32, #tpu.memory_space<vmem>>, vector<16xf32>,
      %add3A_711 = arith.constant 128 : i32
      %add3A_712 = vector.broadcast %add3A_711 : i32 to vector<16xi32>
      %add3A_713 = arith.addi %get3A_35, %add3A_712 : vector<16xi32>
      %gather3A_714 = tpu.vector_load_idx %arg6[%add3A_225, %add3A_713, %get3A_37] : memref<4x200x6xf32, #tpu.memory_space<vmem>>[vector<16xi32>, vector<16xi32>, vector<16xi32>], vector<16xf32>,
      %add3A_715 = arith.constant 768 : i32
      %add3A_716 = arith.addi %add3A_232, %add3A_715 : i32
      %add3A_717 = arith.constant 0 : i32
      %add3A_718 = arith.addi %add3A_716, %add3A_717 : i32
      %swap3A_719 = arith.index_cast %add3A_718 : i32 to index
      %swap3A_720 = tpu.vector_load %arg7[%swap3A_719] {strides = array<i32>} : memref<24000xf32, #tpu.memory_space<vmem>>, vector<16xf32>,
      tpu.vector_store %arg7[%swap3A_719], %gather3A_714 {strides = array<i32>} : memref<24000xf32, #tpu.memory_space<vmem>>, vector<16xf32>,
      %add3A_721 = arith.constant 128 : i32
      %add3A_722 = vector.broadcast %add3A_721 : i32 to vector<16xi32>
      %add3A_723 = arith.addi %get3A_39, %add3A_722 : vector<16xi32>
      %gather3A_724 = tpu.vector_load_idx %arg6[%add3A_225, %add3A_723, %get3A_41] : memref<4x200x6xf32, #tpu.memory_space<vmem>>[vector<16xi32>, vector<16xi32>, vector<16xi32>], vector<16xf32>,
      %add3A_725 = arith.constant 768 : i32
      %add3A_726 = arith.addi %add3A_232, %add3A_725 : i32
      %add3A_727 = arith.constant 16 : i32
      %add3A_728 = arith.addi %add3A_726, %add3A_727 : i32
      %swap3A_729 = arith.index_cast %add3A_728 : i32 to index
      %swap3A_730 = tpu.vector_load %arg7[%swap3A_729] {strides = array<i32>} : memref<24000xf32, #tpu.memory_space<vmem>>, vector<16xf32>,
      tpu.vector_store %arg7[%swap3A_729], %gather3A_724 {strides = array<i32>} : memref<24000xf32, #tpu.memory_space<vmem>>, vector<16xf32>,
      %add3A_731 = arith.constant 128 : i32
      %add3A_732 = vector.broadcast %add3A_731 : i32 to vector<16xi32>
      %add3A_733 = arith.addi %get3A_43, %add3A_732 : vector<16xi32>
      %gather3A_734 = tpu.vector_load_idx %arg6[%add3A_225, %add3A_733, %get3A_45] : memref<4x200x6xf32, #tpu.memory_space<vmem>>[vector<16xi32>, vector<16xi32>, vector<16xi32>], vector<16xf32>,
      %add3A_735 = arith.constant 768 : i32
      %add3A_736 = arith.addi %add3A_232, %add3A_735 : i32
      %add3A_737 = arith.constant 32 : i32
      %add3A_738 = arith.addi %add3A_736, %add3A_737 : i32
      %swap3A_739 = arith.index_cast %add3A_738 : i32 to index
      %swap3A_740 = tpu.vector_load %arg7[%swap3A_739] {strides = array<i32>} : memref<24000xf32, #tpu.memory_space<vmem>>, vector<16xf32>,
      tpu.vector_store %arg7[%swap3A_739], %gather3A_734 {strides = array<i32>} : memref<24000xf32, #tpu.memory_space<vmem>>, vector<16xf32>,
      %add3A_741 = arith.constant 136 : i32
      %add3A_742 = vector.broadcast %add3A_741 : i32 to vector<16xi32>
      %add3A_743 = arith.addi %get3A_35, %add3A_742 : vector<16xi32>
      %gather3A_744 = tpu.vector_load_idx %arg6[%add3A_225, %add3A_743, %get3A_37] : memref<4x200x6xf32, #tpu.memory_space<vmem>>[vector<16xi32>, vector<16xi32>, vector<16xi32>], vector<16xf32>,
      %add3A_745 = arith.constant 816 : i32
      %add3A_746 = arith.addi %add3A_232, %add3A_745 : i32
      %add3A_747 = arith.constant 0 : i32
      %add3A_748 = arith.addi %add3A_746, %add3A_747 : i32
      %swap3A_749 = arith.index_cast %add3A_748 : i32 to index
      %swap3A_750 = tpu.vector_load %arg7[%swap3A_749] {strides = array<i32>} : memref<24000xf32, #tpu.memory_space<vmem>>, vector<16xf32>,
      tpu.vector_store %arg7[%swap3A_749], %gather3A_744 {strides = array<i32>} : memref<24000xf32, #tpu.memory_space<vmem>>, vector<16xf32>,
      %add3A_751 = arith.constant 136 : i32
      %add3A_752 = vector.broadcast %add3A_751 : i32 to vector<16xi32>
      %add3A_753 = arith.addi %get3A_39, %add3A_752 : vector<16xi32>
      %gather3A_754 = tpu.vector_load_idx %arg6[%add3A_225, %add3A_753, %get3A_41] : memref<4x200x6xf32, #tpu.memory_space<vmem>>[vector<16xi32>, vector<16xi32>, vector<16xi32>], vector<16xf32>,
      %add3A_755 = arith.constant 816 : i32
      %add3A_756 = arith.addi %add3A_232, %add3A_755 : i32
      %add3A_757 = arith.constant 16 : i32
      %add3A_758 = arith.addi %add3A_756, %add3A_757 : i32
      %swap3A_759 = arith.index_cast %add3A_758 : i32 to index
      %swap3A_760 = tpu.vector_load %arg7[%swap3A_759] {strides = array<i32>} : memref<24000xf32, #tpu.memory_space<vmem>>, vector<16xf32>,
      tpu.vector_store %arg7[%swap3A_759], %gather3A_754 {strides = array<i32>} : memref<24000xf32, #tpu.memory_space<vmem>>, vector<16xf32>,
      %add3A_761 = arith.constant 136 : i32
      %add3A_762 = vector.broadcast %add3A_761 : i32 to vector<16xi32>
      %add3A_763 = arith.addi %get3A_43, %add3A_762 : vector<16xi32>
      %gather3A_764 = tpu.vector_load_idx %arg6[%add3A_225, %add3A_763, %get3A_45] : memref<4x200x6xf32, #tpu.memory_space<vmem>>[vector<16xi32>, vector<16xi32>, vector<16xi32>], vector<16xf32>,
      %add3A_765 = arith.constant 816 : i32
      %add3A_766 = arith.addi %add3A_232, %add3A_765 : i32
      %add3A_767 = arith.constant 32 : i32
      %add3A_768 = arith.addi %add3A_766, %add3A_767 : i32
      %swap3A_769 = arith.index_cast %add3A_768 : i32 to index
      %swap3A_770 = tpu.vector_load %arg7[%swap3A_769] {strides = array<i32>} : memref<24000xf32, #tpu.memory_space<vmem>>, vector<16xf32>,
      tpu.vector_store %arg7[%swap3A_769], %gather3A_764 {strides = array<i32>} : memref<24000xf32, #tpu.memory_space<vmem>>, vector<16xf32>,
      %add3A_771 = arith.constant 144 : i32
      %add3A_772 = vector.broadcast %add3A_771 : i32 to vector<16xi32>
      %add3A_773 = arith.addi %get3A_35, %add3A_772 : vector<16xi32>
      %gather3A_774 = tpu.vector_load_idx %arg6[%add3A_225, %add3A_773, %get3A_37] : memref<4x200x6xf32, #tpu.memory_space<vmem>>[vector<16xi32>, vector<16xi32>, vector<16xi32>], vector<16xf32>,
      %add3A_775 = arith.constant 864 : i32
      %add3A_776 = arith.addi %add3A_232, %add3A_775 : i32
      %add3A_777 = arith.constant 0 : i32
      %add3A_778 = arith.addi %add3A_776, %add3A_777 : i32
      %swap3A_779 = arith.index_cast %add3A_778 : i32 to index
      %swap3A_780 = tpu.vector_load %arg7[%swap3A_779] {strides = array<i32>} : memref<24000xf32, #tpu.memory_space<vmem>>, vector<16xf32>,
      tpu.vector_store %arg7[%swap3A_779], %gather3A_774 {strides = array<i32>} : memref<24000xf32, #tpu.memory_space<vmem>>, vector<16xf32>,
      %add3A_781 = arith.constant 144 : i32
      %add3A_782 = vector.broadcast %add3A_781 : i32 to vector<16xi32>
      %add3A_783 = arith.addi %get3A_39, %add3A_782 : vector<16xi32>
      %gather3A_784 = tpu.vector_load_idx %arg6[%add3A_225, %add3A_783, %get3A_41] : memref<4x200x6xf32, #tpu.memory_space<vmem>>[vector<16xi32>, vector<16xi32>, vector<16xi32>], vector<16xf32>,
      %add3A_785 = arith.constant 864 : i32
      %add3A_786 = arith.addi %add3A_232, %add3A_785 : i32
      %add3A_787 = arith.constant 16 : i32
      %add3A_788 = arith.addi %add3A_786, %add3A_787 : i32
      %swap3A_789 = arith.index_cast %add3A_788 : i32 to index
      %swap3A_790 = tpu.vector_load %arg7[%swap3A_789] {strides = array<i32>} : memref<24000xf32, #tpu.memory_space<vmem>>, vector<16xf32>,
      tpu.vector_store %arg7[%swap3A_789], %gather3A_784 {strides = array<i32>} : memref<24000xf32, #tpu.memory_space<vmem>>, vector<16xf32>,
      %add3A_791 = arith.constant 144 : i32
      %add3A_792 = vector.broadcast %add3A_791 : i32 to vector<16xi32>
      %add3A_793 = arith.addi %get3A_43, %add3A_792 : vector<16xi32>
      %gather3A_794 = tpu.vector_load_idx %arg6[%add3A_225, %add3A_793, %get3A_45] : memref<4x200x6xf32, #tpu.memory_space<vmem>>[vector<16xi32>, vector<16xi32>, vector<16xi32>], vector<16xf32>,
      %add3A_795 = arith.constant 864 : i32
      %add3A_796 = arith.addi %add3A_232, %add3A_795 : i32
      %add3A_797 = arith.constant 32 : i32
      %add3A_798 = arith.addi %add3A_796, %add3A_797 : i32
      %swap3A_799 = arith.index_cast %add3A_798 : i32 to index
      %swap3A_800 = tpu.vector_load %arg7[%swap3A_799] {strides = array<i32>} : memref<24000xf32, #tpu.memory_space<vmem>>, vector<16xf32>,
      tpu.vector_store %arg7[%swap3A_799], %gather3A_794 {strides = array<i32>} : memref<24000xf32, #tpu.memory_space<vmem>>, vector<16xf32>,
      %add3A_801 = arith.constant 152 : i32
      %add3A_802 = vector.broadcast %add3A_801 : i32 to vector<16xi32>
      %add3A_803 = arith.addi %get3A_35, %add3A_802 : vector<16xi32>
      %gather3A_804 = tpu.vector_load_idx %arg6[%add3A_225, %add3A_803, %get3A_37] : memref<4x200x6xf32, #tpu.memory_space<vmem>>[vector<16xi32>, vector<16xi32>, vector<16xi32>], vector<16xf32>,
      %add3A_805 = arith.constant 912 : i32
      %add3A_806 = arith.addi %add3A_232, %add3A_805 : i32
      %add3A_807 = arith.constant 0 : i32
      %add3A_808 = arith.addi %add3A_806, %add3A_807 : i32
      %swap3A_809 = arith.index_cast %add3A_808 : i32 to index
      %swap3A_810 = tpu.vector_load %arg7[%swap3A_809] {strides = array<i32>} : memref<24000xf32, #tpu.memory_space<vmem>>, vector<16xf32>,
      tpu.vector_store %arg7[%swap3A_809], %gather3A_804 {strides = array<i32>} : memref<24000xf32, #tpu.memory_space<vmem>>, vector<16xf32>,
      %add3A_811 = arith.constant 152 : i32
      %add3A_812 = vector.broadcast %add3A_811 : i32 to vector<16xi32>
      %add3A_813 = arith.addi %get3A_39, %add3A_812 : vector<16xi32>
      %gather3A_814 = tpu.vector_load_idx %arg6[%add3A_225, %add3A_813, %get3A_41] : memref<4x200x6xf32, #tpu.memory_space<vmem>>[vector<16xi32>, vector<16xi32>, vector<16xi32>], vector<16xf32>,
      %add3A_815 = arith.constant 912 : i32
      %add3A_816 = arith.addi %add3A_232, %add3A_815 : i32
      %add3A_817 = arith.constant 16 : i32
      %add3A_818 = arith.addi %add3A_816, %add3A_817 : i32
      %swap3A_819 = arith.index_cast %add3A_818 : i32 to index
      %swap3A_820 = tpu.vector_load %arg7[%swap3A_819] {strides = array<i32>} : memref<24000xf32, #tpu.memory_space<vmem>>, vector<16xf32>,
      tpu.vector_store %arg7[%swap3A_819], %gather3A_814 {strides = array<i32>} : memref<24000xf32, #tpu.memory_space<vmem>>, vector<16xf32>,
      %add3A_821 = arith.constant 152 : i32
      %add3A_822 = vector.broadcast %add3A_821 : i32 to vector<16xi32>
      %add3A_823 = arith.addi %get3A_43, %add3A_822 : vector<16xi32>
      %gather3A_824 = tpu.vector_load_idx %arg6[%add3A_225, %add3A_823, %get3A_45] : memref<4x200x6xf32, #tpu.memory_space<vmem>>[vector<16xi32>, vector<16xi32>, vector<16xi32>], vector<16xf32>,
      %add3A_825 = arith.constant 912 : i32
      %add3A_826 = arith.addi %add3A_232, %add3A_825 : i32
      %add3A_827 = arith.constant 32 : i32
      %add3A_828 = arith.addi %add3A_826, %add3A_827 : i32
      %swap3A_829 = arith.index_cast %add3A_828 : i32 to index
      %swap3A_830 = tpu.vector_load %arg7[%swap3A_829] {strides = array<i32>} : memref<24000xf32, #tpu.memory_space<vmem>>, vector<16xf32>,
      tpu.vector_store %arg7[%swap3A_829], %gather3A_824 {strides = array<i32>} : memref<24000xf32, #tpu.memory_space<vmem>>, vector<16xf32>,
      %add3A_831 = arith.constant 160 : i32
      %add3A_832 = vector.broadcast %add3A_831 : i32 to vector<16xi32>
      %add3A_833 = arith.addi %get3A_35, %add3A_832 : vector<16xi32>
      %gather3A_834 = tpu.vector_load_idx %arg6[%add3A_225, %add3A_833, %get3A_37] : memref<4x200x6xf32, #tpu.memory_space<vmem>>[vector<16xi32>, vector<16xi32>, vector<16xi32>], vector<16xf32>,
      %add3A_835 = arith.constant 960 : i32
      %add3A_836 = arith.addi %add3A_232, %add3A_835 : i32
      %add3A_837 = arith.constant 0 : i32
      %add3A_838 = arith.addi %add3A_836, %add3A_837 : i32
      %swap3A_839 = arith.index_cast %add3A_838 : i32 to index
      %swap3A_840 = tpu.vector_load %arg7[%swap3A_839] {strides = array<i32>} : memref<24000xf32, #tpu.memory_space<vmem>>, vector<16xf32>,
      tpu.vector_store %arg7[%swap3A_839], %gather3A_834 {strides = array<i32>} : memref<24000xf32, #tpu.memory_space<vmem>>, vector<16xf32>,
      %add3A_841 = arith.constant 160 : i32
      %add3A_842 = vector.broadcast %add3A_841 : i32 to vector<16xi32>
      %add3A_843 = arith.addi %get3A_39, %add3A_842 : vector<16xi32>
      %gather3A_844 = tpu.vector_load_idx %arg6[%add3A_225, %add3A_843, %get3A_41] : memref<4x200x6xf32, #tpu.memory_space<vmem>>[vector<16xi32>, vector<16xi32>, vector<16xi32>], vector<16xf32>,
      %add3A_845 = arith.constant 960 : i32
      %add3A_846 = arith.addi %add3A_232, %add3A_845 : i32
      %add3A_847 = arith.constant 16 : i32
      %add3A_848 = arith.addi %add3A_846, %add3A_847 : i32
      %swap3A_849 = arith.index_cast %add3A_848 : i32 to index
      %swap3A_850 = tpu.vector_load %arg7[%swap3A_849] {strides = array<i32>} : memref<24000xf32, #tpu.memory_space<vmem>>, vector<16xf32>,
      tpu.vector_store %arg7[%swap3A_849], %gather3A_844 {strides = array<i32>} : memref<24000xf32, #tpu.memory_space<vmem>>, vector<16xf32>,
      %add3A_851 = arith.constant 160 : i32
      %add3A_852 = vector.broadcast %add3A_851 : i32 to vector<16xi32>
      %add3A_853 = arith.addi %get3A_43, %add3A_852 : vector<16xi32>
      %gather3A_854 = tpu.vector_load_idx %arg6[%add3A_225, %add3A_853, %get3A_45] : memref<4x200x6xf32, #tpu.memory_space<vmem>>[vector<16xi32>, vector<16xi32>, vector<16xi32>], vector<16xf32>,
      %add3A_855 = arith.constant 960 : i32
      %add3A_856 = arith.addi %add3A_232, %add3A_855 : i32
      %add3A_857 = arith.constant 32 : i32
      %add3A_858 = arith.addi %add3A_856, %add3A_857 : i32
      %swap3A_859 = arith.index_cast %add3A_858 : i32 to index
      %swap3A_860 = tpu.vector_load %arg7[%swap3A_859] {strides = array<i32>} : memref<24000xf32, #tpu.memory_space<vmem>>, vector<16xf32>,
      tpu.vector_store %arg7[%swap3A_859], %gather3A_854 {strides = array<i32>} : memref<24000xf32, #tpu.memory_space<vmem>>, vector<16xf32>,
      %add3A_861 = arith.constant 168 : i32
      %add3A_862 = vector.broadcast %add3A_861 : i32 to vector<16xi32>
      %add3A_863 = arith.addi %get3A_35, %add3A_862 : vector<16xi32>
      %gather3A_864 = tpu.vector_load_idx %arg6[%add3A_225, %add3A_863, %get3A_37] : memref<4x200x6xf32, #tpu.memory_space<vmem>>[vector<16xi32>, vector<16xi32>, vector<16xi32>], vector<16xf32>,
      %add3A_865 = arith.constant 1008 : i32
      %add3A_866 = arith.addi %add3A_232, %add3A_865 : i32
      %add3A_867 = arith.constant 0 : i32
      %add3A_868 = arith.addi %add3A_866, %add3A_867 : i32
      %swap3A_869 = arith.index_cast %add3A_868 : i32 to index
      %swap3A_870 = tpu.vector_load %arg7[%swap3A_869] {strides = array<i32>} : memref<24000xf32, #tpu.memory_space<vmem>>, vector<16xf32>,
      tpu.vector_store %arg7[%swap3A_869], %gather3A_864 {strides = array<i32>} : memref<24000xf32, #tpu.memory_space<vmem>>, vector<16xf32>,
      %add3A_871 = arith.constant 168 : i32
      %add3A_872 = vector.broadcast %add3A_871 : i32 to vector<16xi32>
      %add3A_873 = arith.addi %get3A_39, %add3A_872 : vector<16xi32>
      %gather3A_874 = tpu.vector_load_idx %arg6[%add3A_225, %add3A_873, %get3A_41] : memref<4x200x6xf32, #tpu.memory_space<vmem>>[vector<16xi32>, vector<16xi32>, vector<16xi32>], vector<16xf32>,
      %add3A_875 = arith.constant 1008 : i32
      %add3A_876 = arith.addi %add3A_232, %add3A_875 : i32
      %add3A_877 = arith.constant 16 : i32
      %add3A_878 = arith.addi %add3A_876, %add3A_877 : i32
      %swap3A_879 = arith.index_cast %add3A_878 : i32 to index
      %swap3A_880 = tpu.vector_load %arg7[%swap3A_879] {strides = array<i32>} : memref<24000xf32, #tpu.memory_space<vmem>>, vector<16xf32>,
      tpu.vector_store %arg7[%swap3A_879], %gather3A_874 {strides = array<i32>} : memref<24000xf32, #tpu.memory_space<vmem>>, vector<16xf32>,
      %add3A_881 = arith.constant 168 : i32
      %add3A_882 = vector.broadcast %add3A_881 : i32 to vector<16xi32>
      %add3A_883 = arith.addi %get3A_43, %add3A_882 : vector<16xi32>
      %gather3A_884 = tpu.vector_load_idx %arg6[%add3A_225, %add3A_883, %get3A_45] : memref<4x200x6xf32, #tpu.memory_space<vmem>>[vector<16xi32>, vector<16xi32>, vector<16xi32>], vector<16xf32>,
      %add3A_885 = arith.constant 1008 : i32
      %add3A_886 = arith.addi %add3A_232, %add3A_885 : i32
      %add3A_887 = arith.constant 32 : i32
      %add3A_888 = arith.addi %add3A_886, %add3A_887 : i32
      %swap3A_889 = arith.index_cast %add3A_888 : i32 to index
      %swap3A_890 = tpu.vector_load %arg7[%swap3A_889] {strides = array<i32>} : memref<24000xf32, #tpu.memory_space<vmem>>, vector<16xf32>,
      tpu.vector_store %arg7[%swap3A_889], %gather3A_884 {strides = array<i32>} : memref<24000xf32, #tpu.memory_space<vmem>>, vector<16xf32>,
      %add3A_891 = arith.constant 176 : i32
      %add3A_892 = vector.broadcast %add3A_891 : i32 to vector<16xi32>
      %add3A_893 = arith.addi %get3A_35, %add3A_892 : vector<16xi32>
      %gather3A_894 = tpu.vector_load_idx %arg6[%add3A_225, %add3A_893, %get3A_37] : memref<4x200x6xf32, #tpu.memory_space<vmem>>[vector<16xi32>, vector<16xi32>, vector<16xi32>], vector<16xf32>,
      %add3A_895 = arith.constant 1056 : i32
      %add3A_896 = arith.addi %add3A_232, %add3A_895 : i32
      %add3A_897 = arith.constant 0 : i32
      %add3A_898 = arith.addi %add3A_896, %add3A_897 : i32
      %swap3A_899 = arith.index_cast %add3A_898 : i32 to index
      %swap3A_900 = tpu.vector_load %arg7[%swap3A_899] {strides = array<i32>} : memref<24000xf32, #tpu.memory_space<vmem>>, vector<16xf32>,
      tpu.vector_store %arg7[%swap3A_899], %gather3A_894 {strides = array<i32>} : memref<24000xf32, #tpu.memory_space<vmem>>, vector<16xf32>,
      %add3A_901 = arith.constant 176 : i32
      %add3A_902 = vector.broadcast %add3A_901 : i32 to vector<16xi32>
      %add3A_903 = arith.addi %get3A_39, %add3A_902 : vector<16xi32>
      %gather3A_904 = tpu.vector_load_idx %arg6[%add3A_225, %add3A_903, %get3A_41] : memref<4x200x6xf32, #tpu.memory_space<vmem>>[vector<16xi32>, vector<16xi32>, vector<16xi32>], vector<16xf32>,
      %add3A_905 = arith.constant 1056 : i32
      %add3A_906 = arith.addi %add3A_232, %add3A_905 : i32
      %add3A_907 = arith.constant 16 : i32
      %add3A_908 = arith.addi %add3A_906, %add3A_907 : i32
      %swap3A_909 = arith.index_cast %add3A_908 : i32 to index
      %swap3A_910 = tpu.vector_load %arg7[%swap3A_909] {strides = array<i32>} : memref<24000xf32, #tpu.memory_space<vmem>>, vector<16xf32>,
      tpu.vector_store %arg7[%swap3A_909], %gather3A_904 {strides = array<i32>} : memref<24000xf32, #tpu.memory_space<vmem>>, vector<16xf32>,
      %add3A_911 = arith.constant 176 : i32
      %add3A_912 = vector.broadcast %add3A_911 : i32 to vector<16xi32>
      %add3A_913 = arith.addi %get3A_43, %add3A_912 : vector<16xi32>
      %gather3A_914 = tpu.vector_load_idx %arg6[%add3A_225, %add3A_913, %get3A_45] : memref<4x200x6xf32, #tpu.memory_space<vmem>>[vector<16xi32>, vector<16xi32>, vector<16xi32>], vector<16xf32>,
      %add3A_915 = arith.constant 1056 : i32
      %add3A_916 = arith.addi %add3A_232, %add3A_915 : i32
      %add3A_917 = arith.constant 32 : i32
      %add3A_918 = arith.addi %add3A_916, %add3A_917 : i32
      %swap3A_919 = arith.index_cast %add3A_918 : i32 to index
      %swap3A_920 = tpu.vector_load %arg7[%swap3A_919] {strides = array<i32>} : memref<24000xf32, #tpu.memory_space<vmem>>, vector<16xf32>,
      tpu.vector_store %arg7[%swap3A_919], %gather3A_914 {strides = array<i32>} : memref<24000xf32, #tpu.memory_space<vmem>>, vector<16xf32>,
      %add3A_921 = arith.constant 184 : i32
      %add3A_922 = vector.broadcast %add3A_921 : i32 to vector<16xi32>
      %add3A_923 = arith.addi %get3A_35, %add3A_922 : vector<16xi32>
      %gather3A_924 = tpu.vector_load_idx %arg6[%add3A_225, %add3A_923, %get3A_37] : memref<4x200x6xf32, #tpu.memory_space<vmem>>[vector<16xi32>, vector<16xi32>, vector<16xi32>], vector<16xf32>,
      %add3A_925 = arith.constant 1104 : i32
      %add3A_926 = arith.addi %add3A_232, %add3A_925 : i32
      %add3A_927 = arith.constant 0 : i32
      %add3A_928 = arith.addi %add3A_926, %add3A_927 : i32
      %swap3A_929 = arith.index_cast %add3A_928 : i32 to index
      %swap3A_930 = tpu.vector_load %arg7[%swap3A_929] {strides = array<i32>} : memref<24000xf32, #tpu.memory_space<vmem>>, vector<16xf32>,
      tpu.vector_store %arg7[%swap3A_929], %gather3A_924 {strides = array<i32>} : memref<24000xf32, #tpu.memory_space<vmem>>, vector<16xf32>,
      %add3A_931 = arith.constant 184 : i32
      %add3A_932 = vector.broadcast %add3A_931 : i32 to vector<16xi32>
      %add3A_933 = arith.addi %get3A_39, %add3A_932 : vector<16xi32>
      %gather3A_934 = tpu.vector_load_idx %arg6[%add3A_225, %add3A_933, %get3A_41] : memref<4x200x6xf32, #tpu.memory_space<vmem>>[vector<16xi32>, vector<16xi32>, vector<16xi32>], vector<16xf32>,
      %add3A_935 = arith.constant 1104 : i32
      %add3A_936 = arith.addi %add3A_232, %add3A_935 : i32
      %add3A_937 = arith.constant 16 : i32
      %add3A_938 = arith.addi %add3A_936, %add3A_937 : i32
      %swap3A_939 = arith.index_cast %add3A_938 : i32 to index
      %swap3A_940 = tpu.vector_load %arg7[%swap3A_939] {strides = array<i32>} : memref<24000xf32, #tpu.memory_space<vmem>>, vector<16xf32>,
      tpu.vector_store %arg7[%swap3A_939], %gather3A_934 {strides = array<i32>} : memref<24000xf32, #tpu.memory_space<vmem>>, vector<16xf32>,
      %add3A_941 = arith.constant 184 : i32
      %add3A_942 = vector.broadcast %add3A_941 : i32 to vector<16xi32>
      %add3A_943 = arith.addi %get3A_43, %add3A_942 : vector<16xi32>
      %gather3A_944 = tpu.vector_load_idx %arg6[%add3A_225, %add3A_943, %get3A_45] : memref<4x200x6xf32, #tpu.memory_space<vmem>>[vector<16xi32>, vector<16xi32>, vector<16xi32>], vector<16xf32>,
      %add3A_945 = arith.constant 1104 : i32
      %add3A_946 = arith.addi %add3A_232, %add3A_945 : i32
      %add3A_947 = arith.constant 32 : i32
      %add3A_948 = arith.addi %add3A_946, %add3A_947 : i32
      %swap3A_949 = arith.index_cast %add3A_948 : i32 to index
      %swap3A_950 = tpu.vector_load %arg7[%swap3A_949] {strides = array<i32>} : memref<24000xf32, #tpu.memory_space<vmem>>, vector<16xf32>,
      tpu.vector_store %arg7[%swap3A_949], %gather3A_944 {strides = array<i32>} : memref<24000xf32, #tpu.memory_space<vmem>>, vector<16xf32>,
      %add3A_951 = arith.constant 192 : i32
      %add3A_952 = vector.broadcast %add3A_951 : i32 to vector<16xi32>
      %add3A_953 = arith.addi %get3A_35, %add3A_952 : vector<16xi32>
      %gather3A_954 = tpu.vector_load_idx %arg6[%add3A_225, %add3A_953, %get3A_37] : memref<4x200x6xf32, #tpu.memory_space<vmem>>[vector<16xi32>, vector<16xi32>, vector<16xi32>], vector<16xf32>,
      %add3A_955 = arith.constant 1152 : i32
      %add3A_956 = arith.addi %add3A_232, %add3A_955 : i32
      %add3A_957 = arith.constant 0 : i32
      %add3A_958 = arith.addi %add3A_956, %add3A_957 : i32
      %swap3A_959 = arith.index_cast %add3A_958 : i32 to index
      %swap3A_960 = tpu.vector_load %arg7[%swap3A_959] {strides = array<i32>} : memref<24000xf32, #tpu.memory_space<vmem>>, vector<16xf32>,
      tpu.vector_store %arg7[%swap3A_959], %gather3A_954 {strides = array<i32>} : memref<24000xf32, #tpu.memory_space<vmem>>, vector<16xf32>,
      %add3A_961 = arith.constant 192 : i32
      %add3A_962 = vector.broadcast %add3A_961 : i32 to vector<16xi32>
      %add3A_963 = arith.addi %get3A_39, %add3A_962 : vector<16xi32>
      %gather3A_964 = tpu.vector_load_idx %arg6[%add3A_225, %add3A_963, %get3A_41] : memref<4x200x6xf32, #tpu.memory_space<vmem>>[vector<16xi32>, vector<16xi32>, vector<16xi32>], vector<16xf32>,
      %add3A_965 = arith.constant 1152 : i32
      %add3A_966 = arith.addi %add3A_232, %add3A_965 : i32
      %add3A_967 = arith.constant 16 : i32
      %add3A_968 = arith.addi %add3A_966, %add3A_967 : i32
      %swap3A_969 = arith.index_cast %add3A_968 : i32 to index
      %swap3A_970 = tpu.vector_load %arg7[%swap3A_969] {strides = array<i32>} : memref<24000xf32, #tpu.memory_space<vmem>>, vector<16xf32>,
      tpu.vector_store %arg7[%swap3A_969], %gather3A_964 {strides = array<i32>} : memref<24000xf32, #tpu.memory_space<vmem>>, vector<16xf32>,
      %add3A_971 = arith.constant 192 : i32
      %add3A_972 = vector.broadcast %add3A_971 : i32 to vector<16xi32>
      %add3A_973 = arith.addi %get3A_43, %add3A_972 : vector<16xi32>
      %gather3A_974 = tpu.vector_load_idx %arg6[%add3A_225, %add3A_973, %get3A_45] : memref<4x200x6xf32, #tpu.memory_space<vmem>>[vector<16xi32>, vector<16xi32>, vector<16xi32>], vector<16xf32>,
      %add3A_975 = arith.constant 1152 : i32
      %add3A_976 = arith.addi %add3A_232, %add3A_975 : i32
      %add3A_977 = arith.constant 32 : i32
      %add3A_978 = arith.addi %add3A_976, %add3A_977 : i32
      %swap3A_979 = arith.index_cast %add3A_978 : i32 to index
      %swap3A_980 = tpu.vector_load %arg7[%swap3A_979] {strides = array<i32>} : memref<24000xf32, #tpu.memory_space<vmem>>, vector<16xf32>,
      tpu.vector_store %arg7[%swap3A_979], %gather3A_974 {strides = array<i32>} : memref<24000xf32, #tpu.memory_space<vmem>>, vector<16xf32>,
      %rem3A_981 = arith.constant 10 : i32
      %rem3A_982 = arith.remsi %scan3A_114, %rem3A_981 : i32
      %eq3A_983 = arith.constant 9 : i32
      %eq3A_984 = arith.cmpi eq, %rem3A_982, %eq3A_983 : i32
      %eq3A_985 = arith.constant 0 : i32
      %eq3A_986 = arith.cmpi eq, %rem3A_198, %eq3A_985 : i32
      %and3A_987 = arith.andi %eq3A_984, %eq3A_986 : i1
      %convert_element_type3A_988 = arith.extui %and3A_987 : i1 to i32
      %cond3A_989 = arith.constant 0 : i32
      %cond3A_990 = arith.cmpi ne, %convert_element_type3A_988, %cond3A_989 : i32
      scf.if %cond3A_990 {
        %mul3A_1001 = arith.constant 12000 : i32
        %mul3A_1002 = arith.muli %select_n3A_196, %mul3A_1001 : i32
        %add3A_1003 = arith.addi %mul3A_34, %mul3A_1002 : i32
        %dma_start3A_1004 = arith.constant 0 : i32
        %dma_start3A_1005 = tpu.memref_slice %arg7[%dma_start3A_1004] : memref<24000xf32, #tpu.memory_space<vmem>> -> memref<12000xf32, #tpu.memory_space<vmem>>
        %dma_start3A_1006 = tpu.memref_slice %arg4[%add3A_1003] : memref<9600000xf32, #tpu.memory_space<hbm>> -> memref<12000xf32, #tpu.memory_space<hbm>>
        %dma_start3A_1007 = tpu.memref_slice %arg4[%add3A_1003] : memref<9600000xf32, #tpu.memory_space<hbm>> -> memref<12000xf32, #tpu.memory_space<hbm>>
        %dma_start3A_1008 = arith.constant 0 : i32
        %dma_start3A_1009 = tpu.memref_slice %arg7[%dma_start3A_1008] : memref<24000xf32, #tpu.memory_space<vmem>> -> memref<12000xf32, #tpu.memory_space<vmem>>
        tpu.enqueue_dma source(%dma_start3A_1009 : memref<12000xf32, #tpu.memory_space<vmem>>) target(%dma_start3A_1007 : memref<12000xf32, #tpu.memory_space<hbm>>) target_semaphore(%arg12 : memref<!tpu.dma_semaphore, #tpu.memory_space<semaphore_mem>>)
      } else {
      }
      %rem3A_991 = arith.constant 10 : i32
      %rem3A_992 = arith.remsi %scan3A_114, %rem3A_991 : i32
      %eq3A_993 = arith.constant 9 : i32
      %eq3A_994 = arith.cmpi eq, %rem3A_992, %eq3A_993 : i32
      %eq3A_995 = arith.constant 1 : i32
      %eq3A_996 = arith.cmpi eq, %rem3A_198, %eq3A_995 : i32
      %and3A_997 = arith.andi %eq3A_994, %eq3A_996 : i1
      %convert_element_type3A_998 = arith.extui %and3A_997 : i1 to i32
      %cond3A_999 = arith.constant 0 : i32
      %cond3A_1000 = arith.cmpi ne, %convert_element_type3A_998, %cond3A_999 : i32
      scf.if %cond3A_1000 {
        %mul3A_1001 = arith.constant 12000 : i32
        %mul3A_1002 = arith.muli %select_n3A_196, %mul3A_1001 : i32
        %add3A_1003 = arith.addi %mul3A_34, %mul3A_1002 : i32
        %dma_start3A_1004 = arith.constant 12000 : i32
        %dma_start3A_1005 = tpu.memref_slice %arg7[%dma_start3A_1004] : memref<24000xf32, #tpu.memory_space<vmem>> -> memref<12000xf32, #tpu.memory_space<vmem>>
        %dma_start3A_1006 = tpu.memref_slice %arg4[%add3A_1003] : memref<9600000xf32, #tpu.memory_space<hbm>> -> memref<12000xf32, #tpu.memory_space<hbm>>
        %dma_start3A_1007 = tpu.memref_slice %arg4[%add3A_1003] : memref<9600000xf32, #tpu.memory_space<hbm>> -> memref<12000xf32, #tpu.memory_space<hbm>>
        %dma_start3A_1008 = arith.constant 12000 : i32
        %dma_start3A_1009 = tpu.memref_slice %arg7[%dma_start3A_1008] : memref<24000xf32, #tpu.memory_space<vmem>> -> memref<12000xf32, #tpu.memory_space<vmem>>
        tpu.enqueue_dma source(%dma_start3A_1009 : memref<12000xf32, #tpu.memory_space<vmem>>) target(%dma_start3A_1007 : memref<12000xf32, #tpu.memory_space<hbm>>) target_semaphore(%arg13 : memref<!tpu.dma_semaphore, #tpu.memory_space<semaphore_mem>>)
      } else {
      }
    }
    %scan3A_102 = arith.constant 250 : i32
    %dma_wait3A = arith.constant 0 : i32
    %dma_wait3A_103 = tpu.memref_slice %arg7[%dma_wait3A] : memref<24000xf32, #tpu.memory_space<vmem>> -> memref<12000xf32, #tpu.memory_space<vmem>>
    %dma_wait3A_104 = tpu.memref_slice %arg4[%mul3A_34] : memref<9600000xf32, #tpu.memory_space<hbm>> -> memref<12000xf32, #tpu.memory_space<hbm>>
    %dma_wait3A_105 = tpu.memref_slice %arg4[%mul3A_34] : memref<9600000xf32, #tpu.memory_space<hbm>> -> memref<12000xf32, #tpu.memory_space<hbm>>
    %dma_wait3A_106 = arith.constant 0 : i32
    %dma_wait3A_107 = tpu.memref_slice %arg7[%dma_wait3A_106] : memref<24000xf32, #tpu.memory_space<vmem>> -> memref<12000xf32, #tpu.memory_space<vmem>>
    tpu.wait_dma2 semaphore(%arg12 : memref<!tpu.dma_semaphore, #tpu.memory_space<semaphore_mem>>) src(%dma_wait3A_107 : memref<12000xf32, #tpu.memory_space<vmem>>) dst(%dma_wait3A_105 : memref<12000xf32, #tpu.memory_space<hbm>>)
    %dma_wait3A_108 = arith.constant 0 : i32
    %dma_wait3A_109 = tpu.memref_slice %arg7[%dma_wait3A_108] : memref<24000xf32, #tpu.memory_space<vmem>> -> memref<12000xf32, #tpu.memory_space<vmem>>
    %dma_wait3A_110 = tpu.memref_slice %arg4[%mul3A_34] : memref<9600000xf32, #tpu.memory_space<hbm>> -> memref<12000xf32, #tpu.memory_space<hbm>>
    %dma_wait3A_111 = tpu.memref_slice %arg4[%mul3A_34] : memref<9600000xf32, #tpu.memory_space<hbm>> -> memref<12000xf32, #tpu.memory_space<hbm>>
    %dma_wait3A_112 = arith.constant 0 : i32
    %dma_wait3A_113 = tpu.memref_slice %arg7[%dma_wait3A_112] : memref<24000xf32, #tpu.memory_space<vmem>> -> memref<12000xf32, #tpu.memory_space<vmem>>
    tpu.wait_dma2 semaphore(%arg13 : memref<!tpu.dma_semaphore, #tpu.memory_space<semaphore_mem>>) src(%dma_wait3A_113 : memref<12000xf32, #tpu.memory_space<vmem>>) dst(%dma_wait3A_111 : memref<12000xf32, #tpu.memory_space<hbm>>)
    return
  }
}

</mosaic_0001>

<sc_bundles>
// kernel: kernel.4.cloned.1.call-start
scs
__scs_entry_jumppad:
0x0: {  	(pc) =	sbr.rel $0x88, $3  }
0x1: {  	(tag) =	ssettag $0x0;
	lr =	simm.s32 $0x1  }
0x2: {  	[smem:$0x3FA0] =	sst lr;
	_ =	strace $0xD0000000  }
0x3: {  	_ = 	snop  }
0x4: {  	_ = 	snop  }
0x5: {  	_ = 	snop  }
0x6: {  	_ = 	snop  }
0x7: {  	_ = 	snop  }
__scs_overlays_trampoline_lowered:
0x8: {  	[smem:$0x3FAF] =	sst s0  }
0x9: {  	[smem:$0x3FB0] =	sst s1  }
0xa: {  	[smem:$0x3FB1] =	sst s2  }
0xb: {  	[smem:$0x3FB2] =	sst s3  }
0xc: {  	[smem:$0x3FB3] =	sst s4  }
0xd: {  	[smem:$0x3FB4] =	sst s5  }
0xe: {  	[smem:$0x3FB5] =	sst s6  }
0xf: {  	[smem:$0x3FB6] =	sst s7  }
0x10: {  	[smem:$0x3FB7] =	sst s8  }
0x11: {  	[smem:$0x3FB8] =	sst s9;
	s0 =	simm.s32 @!p0 $0x0  }
0x12: {  	s1 =	sld [smem:$0x3F9E];
	s0 =	simm.s32 @p0 $0x1  }
0x13: {  	[smem:$0x3FB9] =	sst s0;
	s0 =	simm.s32 @!p1 $0x0  }
0x14: {  	s2 =	sld [smem:$0x3F9D];
	s0 =	simm.s32 @p1 $0x1  }
0x15: {  	[smem:$0x3FBA] =	sst s0;
	s0 =	simm.s32 @!p2 $0x0  }
0x16: {  	s3 =	sld [smem:$0x3FDB];
	s0 =	simm.s32 @p2 $0x1  }
0x17: {  	s4 =	simm.s32 $0x1BF5;
	[smem:$0x3FBC] =	sst s0  }
0x18: {  	s0 =	sld [smem:$0x3F9F];
	_ =	swait.ge [sflag:s4], $0x0  }
0x19: {  	s7 =	sld [smem:$0x3FA0]  }
0x1a: {  	s8 =	sadd.s32 $0xFFFFE003, lr  }
0x1b: {  	s9 =	sadd.s32 $0xFFFFFEF7, lr;
	s5 =	simm.s32 $0xFFFFFFFF;
	p2 =	slt.u32 s8, $0xFFFFF086  }
0x1c: {  	p1 =	slt.u32 s9, $0xF7A;
	s5 =	simm.s32 @!p2 $0x0  }
0x1d: {  	s5 =	simm.s32 @p1 $0x1;
	p0 =	seq.s32 s7, s2  }
0x1e: {  	s7 =	smul.u32 @!p0 $0xF7A, s2;
	p2 =	seq.s32 @!p0 s5, $0x0  }
0x1f: {  	s9 =	smul.u32 $0xF7A, s1;
	s8 =	simm.s32 @!p0 $0x1BF5;
	p2 =	por !p2, p0  }
0x20: {  	[sflag:s8] =	ssyncset.s32 @!p0 $0xFFFFF086;
	s6 =	sadd.s32 @!p0 s3, s7;
	s7 =	simm.s32 @!p0 $0x108  }
0x21: {  	s3 =	sadd.s32 s3, s9;
	s6 =	sadd.s32 @!p0 $0x88, s6;
	s7 =	simm.s32 @p2 $0x1082  }
0x22: {  	[simem:s7], [sflag:s8] =	dma.local @!p0 [hbm:s6], $0xF7A  }
0x23: {  	s9 =	sor.u32 $0xD0000000, s2;
	s6 =	simm.s32 $0x108;
	_ =	swait.ge @!p0 [sflag:s8], $0x0  }
0x24: {  	s3 =	sadd.s32 $0x88, s3;
	s6 =	simm.s32 @!p1 $0x1082;
	[sflag:s4] =	ssyncset.s32 $0xFFFFF086  }
0x25: {  	[simem:s6], [sflag:s4] =	dma.local [hbm:s3], $0xF7A  }
0x26: {  	[smem:$0x3FA0] =	sst s1;
	(tag) =	ssettag s2;
	_ =	strace s9  }
0x27: {  	s1 =	sld [smem:$0x3FB0]  }
0x28: {  	s2 =	sld [smem:$0x3FB1]  }
0x29: {  	s4 =	sld [smem:$0x3FB3]  }
0x2a: {  	p0 =	seq.s32 s5, $0x0;
	s5 =	sld [smem:$0x3FB4]  }
0x2b: {  	s6 =	sld [smem:$0x3FB5]  }
0x2c: {  	s7 =	sld [smem:$0x3FB6]  }
0x2d: {  	s3 =	simm.s32 $0x108;
	s8 =	sld [smem:$0x3FB7]  }
0x2e: {  	s3 =	simm.s32 @!p0 $0x1082;
	s9 =	sld [smem:$0x3FB8]  }
0x2f: {  	lr =	sadd.s32 s0, s3;
	s0 =	sld [smem:$0x3FAF]  }
0x30: {  	s3 =	sld [smem:$0x3FB2]  }
0x31: {  	[smem:$0x3FBB] =	sst s10  }
0x32: {  	s10 =	sld [smem:$0x3FB9];
	_ =	sdelay $0x3  }
0x33: {  	p0 =	seq.s32 s10, $0x1;
	s10 =	sld [smem:$0x3FBB];
	_ =	sdelay $0x3  }
0x34: {  	[smem:$0x3FBB] =	sst s10  }
0x35: {  	s10 =	sld [smem:$0x3FBA];
	_ =	sdelay $0x3  }
0x36: {  	p1 =	seq.s32 s10, $0x1;
	s10 =	sld [smem:$0x3FBB];
	_ =	sdelay $0x3  }
0x37: {  	[smem:$0x3FBB] =	sst s10  }
0x38: {  	s10 =	sld [smem:$0x3FBC]  }
0x39: {  	_ = 	snop;
	(pc) =	sbr.ind lr, $3  }
0x3a: {  	_ = 	snop  }
0x3b: {  	_ = 	snop  }
0x3c: {  	p2 =	seq.s32 s10, $0x1;
	s10 =	sld [smem:$0x3FBB]  }
0x3d: {  	_ =	shalt  }
0x3e: {  	_ =	shalt  }
0x3f: {  	_ =	shalt  }
0x40: {  	_ =	shalt  }
0x41: {  	_ =	shalt  }
0x42: {  	_ =	shalt  }
0x43: {  	_ =	shalt  }
0x44: {  	_ =	shalt  }
0x45: {  	_ =	shalt  }
0x46: {  	_ =	shalt  }
0x47: {  	_ =	shalt  }
0x48: {  	_ =	shalt  }
0x49: {  	_ =	shalt  }
0x4a: {  	_ =	shalt  }
0x4b: {  	_ =	shalt  }
0x4c: {  	_ =	shalt  }
0x4d: {  	_ =	shalt  }
0x4e: {  	_ =	shalt  }
0x4f: {  	_ =	shalt  }
0x50: {  	_ =	shalt  }
0x51: {  	_ =	shalt  }
0x52: {  	_ =	shalt  }
0x53: {  	_ =	shalt  }
0x54: {  	_ =	shalt  }
0x55: {  	_ =	shalt  }
0x56: {  	_ =	shalt  }
0x57: {  	_ =	shalt  }
0x58: {  	_ =	shalt  }
0x59: {  	_ =	shalt  }
0x5a: {  	_ =	shalt  }
0x5b: {  	_ =	shalt  }
0x5c: {  	_ =	shalt  }
0x5d: {  	_ =	shalt  }
0x5e: {  	_ =	shalt  }
0x5f: {  	_ =	shalt  }
0x60: {  	_ =	shalt  }
0x61: {  	_ =	shalt  }
0x62: {  	_ =	shalt  }
0x63: {  	_ =	shalt  }
0x64: {  	_ =	shalt  }
0x65: {  	_ =	shalt  }
0x66: {  	_ =	shalt  }
0x67: {  	_ =	shalt  }
0x68: {  	_ =	shalt  }
0x69: {  	_ =	shalt  }
0x6a: {  	_ =	shalt  }
0x6b: {  	_ =	shalt  }
0x6c: {  	_ =	shalt  }
0x6d: {  	_ =	shalt  }
0x6e: {  	_ =	shalt  }
0x6f: {  	_ =	shalt  }
0x70: {  	_ =	shalt  }
0x71: {  	_ =	shalt  }
0x72: {  	_ =	shalt  }
0x73: {  	_ =	shalt  }
0x74: {  	_ =	shalt  }
0x75: {  	_ =	shalt  }
0x76: {  	_ =	shalt  }
0x77: {  	_ =	shalt  }
0x78: {  	_ =	shalt  }
0x79: {  	_ =	shalt  }
0x7a: {  	_ =	shalt  }
0x7b: {  	_ =	shalt  }
0x7c: {  	_ =	shalt  }
0x7d: {  	_ =	shalt  }
0x7e: {  	_ =	shalt  }
0x7f: {  	_ =	shalt  }
0x80: {  	_ =	shalt  }
0x81: {  	_ =	shalt  }
0x82: {  	_ =	shalt  }
0x83: {  	_ =	shalt  }
0x84: {  	_ =	shalt  }
0x85: {  	_ =	shalt  }
0x86: {  	_ =	shalt  }
0x87: {  	_ =	shalt  }
.Lfunc_end0:
.L_simem_size_0:
called_computation_lowered:
.L_overlay_start_0:
0x88: {  	s2 =	sld [smem:$0x3FD9]  }
0x89: {  	s3 =	sld [smem:$0x3FFE];
	_ =	sdelay $0x1  }
0x8a: {  	s1 =	srdreg.scid  }
0x8b: {  	s0 =	sand.u32 $0x1, s1  }
0x8c: {  	s17 =	sshll.u32 s0, $0xA;
	s2 =	sadd.s32 s3, s2  }
0x8d: {  	s2 =	sadd.s32 s2, s17  }
0x8e: {  	[smem:$0x3FC7] =	sst s2  }
0x8f: {  	_ = 	snop  }
0x90: {  	s2 =	sld [smem:$0x3FD0];
	(tm) =	ssettm $0x1  }
0x91: {  	s18 =	sld [smem:$0x3FFB];
	_ =	sdelay $0x3  }
0x92: {  	_ =	strace s18  }
0x93: {  	s3 =	sld [smem:$0x3FFC];
	_ =	sdelay $0x3  }
0x94: {  	_ =	strace s3  }
0x95: {  	s3 =	sld [smem:$0x3FFD];
	_ =	sdelay $0x3  }
0x96: {  	_ =	strace s3  }
0x97: {  	_ =	strace $0x8FFFFFFF  }
0x98: {  	s19 =	sld [smem:$0x3FDB];
	_ =	sdelay $0x1  }
0x99: {  	s4 =	simm.s32 $_scs_section_size  }
0x9a: {  	s5 =	simm.s32 $_size__tile_overlayer_lowered;
	s6 =	simm.s32 $_tile_overlayer_lowered  }
0x9b: {  	s22 =	simm.s32 $0x1BFF;
	s21 =	sshll.u32 s6, $0x1;
	s3 =	sadd.s32 s4, s19  }
0x9c: {  	s7 =	simm.s32 $0x0;
	s20 =	sshll.u32 s5, $0x1;
	s5 =	sadd.s32 s21, s3  }
0x9d: {  	[timem:s7], [sflag:s22] =	dma.local [hbm:s5], s20  }
0x9e: {  	_ =	swait.ge [sflag:s22], s20  }
0x9f: {  	s4 =	ssub.s32 $0x0, s20;
	[sflag:s22] =	ssyncset.done $0x0  }
0xa0: {  	[sflag:s22] =	ssyncadd.s32 s4;
	_ =	sdelay $0x1  }
0xa1: {  	s23 =	simm.s32 $0x1B8B  }
0xa2: {  	_ =	swait.ge [sflag:s23], $0x1  }
0xa3: {  	[sflag:s23] =	ssyncset.done $0x0  }
0xa4: {  	s25 =	simm.s32 $0x1B8E;
	s24 =	sld [smem:$0x3FFE];
	[sflag:s23] =	ssyncadd.s32 $0xFFFFFFFF  }
0xa5: {  	s26 =	simm.s32 $execute0_lowered;
	[smem:$0x3FD2] =	sst s25  }
0xa6: {  	s5 =	sshll.u32 s26, $0x1;
	_ =	strace $0x80000046;
	[dreg:$0x1] =	wrdreg $0xFFFFFFFF  }
0xa7: {  	s28 =	simm.s32 $_size_execute0_lowered;
	s3 =	sadd.s32 s3, s5;
	[dreg:$0x0] =	wrdreg $0x0  }
0xa8: {  	s5 =	sshll.u32 s28, $0x1;
	[dreg:$0x2] =	wrdreg s3  }
0xa9: {  	[dreg:$0x3] =	wrdreg s5  }
0xaa: {  	[dreg:$0x4] =	wrdreg $0xC0  }
0xab: {  	_ =	task [dreg:s7], $0x5FFFF  }
0xac: {  	[dreg:$0x1] =	wrdreg $0xFFFFFFFF  }
0xad: {  	[dreg:$0x0] =	wrdreg $0x60  }
0xae: {  	[dreg:$0x2] =	wrdreg s24  }
0xaf: {  	[dreg:$0x3] =	wrdreg s2  }
0xb0: {  	[dreg:$0x4] =	wrdreg $0x9  }
0xb1: {  	_ =	task.clear_ibuf [dreg:s7], $0x5FFFF;
	_ =	strace $0x90000046  }
0xb2: {  	s29 =	simm.s32 $0x9;
	_ =	strace $0x80000048  }
0xb3: {  	_ =	swait.ge [sflag:s29], $0x1  }
0xb4: {  	[sflag:s29] =	ssyncadd.s32 $0xFFFFFFFF  }
0xb5: {  	_ =	strace $0x90000048  }
0xb6: {  	_ =	sfence  }
0xb7: {  	s30 =	sld [smem:$0x0];
	_ =	sdelay $0x2  }
0xb8: {  	s31 =	sshll.u32 s1, $0xD;
	s1 =	sshrl.u32 s1, $0x2  }
0xb9: {  	s3 =	sand.u32 $0x4000, s31;
	s1 =	sadd.s32 s1, s30  }
0xba: {  	s0 =	sor.u32 s3, s0;
	s1 =	sshll.u32 s1, $0x11  }
0xbb: {  	s0 =	sor.u32 s1, s0  }
0xbc: {  	s0 =	sadd.s32 $0x8F2B, s0  }
0xbd: {  	[sflag:s0] =	ssyncadd.remote.s32 $0x1  }
0xbe: {  	_ =	sfence.sel $0xFFFF  }
0xbf: {  	[dreg:$0x0] =	wrdreg $0xFFFFFFFF;
	(pc) =	sbr.abs _section_cstart, $3  }
0xc0: {  	[dreg:$0x1] =	wrdreg $0xFFFFFFFF  }
0xc1: {  	_ =	task.clear_ibuf [dreg:s7], $0x2FFFF;
	_ =	strace $0x9FFFFFFF  }
0xc2: {  	(tm) =	ssettm $0x7FFFFFFF  }
0xc3: {  	_ =	shalt  }
tec
execute0_lowered:
.L_overlay_start_1:
0x0: {  	(tag) =	ssettag $0x1  }
0x1: {  	s1 =	srdreg.scid;
	s5 =	rddreg [dreg:$0x0]  }
0x2: {  	s0 =	stileid.u32;
	s2 =	rddreg [dreg:$0x1]  }
0x3: {  	s3 =	simm.s32 $0x0;
	s4 =	sand.u32 $0x1, s1;
	s30 =	sshll.u32 s0, $0x1  }
0x4: {  	s7 =	simm.s32 $0x1;
	s9 =	simm.s32 $0x61A800;
	s6 =	sor.u32 s4, s30  }
0x5: {  	s14 =	simm.s32 $0x6480;
	p0 =	seq.s32 s4, $0x1;
	p1 =	seq.s32 s6, $0x0  }
0x6: {  	s15 =	simm.s32 $0xC880;
	s16 =	simm.s32 $0x5;
	p1 =	por !p1, !p0  }
0x7: {  	s17 =	simm.s32 $0x6;
	s1 =	rddreg [dreg:$0x2];
	p1 =	por !p1, !p1  }
0x8: {  	s18 =	simm.s32 $0x0;
	[smem:$0x7FF] =	sst s3;
	s7 =	simm.s32 @!p1 $0x0  }
0x9: {  	_ =	strace $0x80000047;
	s8 =	ssub.s32 $0x2, s4;
	s7 =	ssub.s32 s0, s7  }
0xa: {  	s4 =	sadd.s32 $0xC00, s5;
	s5 =	sadd.s32 $0x186AC00, s5;
	s7 =	smul.u32 $0xC35000, s7  }
0xb: {  	s10 =	sshrl.u32 s8, $0x1;
	s9 =	simm.s32 @!p0 $0x0;
	s6 =	smul.u32 $0x493E0, s6  }
.Ltmp0:
0xc: {  	s10 =	ssub.s32 s8, s10;
	s11 =	sadd.s32 s9, s7;
	(pc) =	sbr.rel .LBB2_1-.Ltmp0, $4  }
0xd: {  	s10 =	smax.u32 s10, $0x1;
	s7 =	sadd.s32 $0x6400, s11;
	s31 =	sadd.s32 $0xC800, s11  }
0xe: {  	s9 =	sshrl.u32 s11, $0x3;
	s11 =	sadd.s32 $0x12C00, s11;
	s12 =	sshrl.u32 s7, $0x3  }
0xf: {  	s13 =	sshrl.u32 s31, $0x3;
	s7 =	sadd.s32 s4, s9;
	s8 =	sadd.s32 s4, s12  }
0x10: {  	s9 =	sadd.s32 s4, s13;
	s12 =	simm.s32 $0x7;
	s13 =	simm.s32 $0x80  }
.LBB2_10:
0x11: {  	s18 =	sadd.s32 $0x1, s18  }
0x12: {  	_ =	swait.ge [sflag:s16], $0x2EE0;
	p0 =	sne.s32 s18, s10  }
.Ltmp1:
0x13: {  	[sflag:s16] =	ssyncset.done $0x0;
	(pc) =	sbr.rel @!p0 .LBB2_11-.Ltmp1, $4  }
0x14: {  	[sflag:s16] =	ssyncadd.s32 $0xFFFFD120  }
0x15: {  	_ =	swait.ge [sflag:s17], $0x2EE0  }
0x16: {  	[sflag:s17] =	ssyncset.done $0x0  }
0x17: {  	[sflag:s17] =	ssyncadd.s32 $0xFFFFD120  }
.LBB2_1:
0x18: {  	[tilespmem:s3], [sflag:$0x7] =	stream.linear.gather [hbm4b:s2+s3], $0x80, $0x38;
	[tilespmem:$0x1EE80] =	vst v63  }
0x19: {  	_ =	swait.ge [sflag:s12], $0x80  }
0x1a: {  	[sflag:s12] =	ssyncset.done $0x0  }
0x1b: {  	[sflag:s12] =	ssyncadd.s32 $0xFFFFFF80  }
0x1c: {  	v0 =	vld [tilespmem:$0x0]  }
0x1d: {  	v1 =	vld [tilespmem:$0x10]  }
0x1e: {  	v2 =	vld [tilespmem:$0x20]  }
0x1f: {  	v4 =	vld [tilespmem:$0x40]  }
0x20: {  	v5 =	vld [tilespmem:$0x50]  }
0x21: {  	v3 =	vld [tilespmem:$0x30];
	_ =	sdelay $0x2  }
0x22: {  	v6 =	vand.u32 $0xFFFFFF80, v1;
	v1 =	vand.u32 $0x7F, v1;
	v0 =	vshll.u32 v0, $0x7  }
0x23: {  	v2 =	vshll.u32 v2, $0x7;
	v7 =	vand.u32 $0xFFFFFF80, v5;
	v4 =	vshll.u32 v4, $0x7  }
0x24: {  	v5 =	vand.u32 $0x7F, v5;
	v0 =	vadd.s32 v0, v6;
	v6 =	vand.u32 $0xFFFFFF80, v3  }
0x25: {  	v3 =	vand.u32 $0x7F, v3;
	v4 =	vadd.s32 v4, v7;
	v2 =	vadd.s32 v2, v6  }
0x26: {  	v0 =	vor.u32 v1, v0;
	v1 =	vor.u32 v3, v2;
	v2 =	vor.u32 v5, v4  }
0x27: {  	v3 =	vadd.s32 $0x400, v0;
	v18 =	vadd.s32 $0x1800, v0;
	v21 =	vadd.s32 $0x1C00, v0  }
0x28: {  	v24 =	vadd.s32 $0x2000, v0;
	v27 =	vadd.s32 $0x2400, v0;
	v30 =	vadd.s32 $0x2800, v0  }
0x29: {  	v33 =	vadd.s32 $0x2C00, v0;
	v36 =	vadd.s32 $0x3000, v0;
	v39 =	vadd.s32 $0x3400, v0  }
0x2a: {  	v42 =	vadd.s32 $0x3800, v0;
	v45 =	vadd.s32 $0x3C00, v0;
	v48 =	vadd.s32 $0x4000, v0  }
0x2b: {  	v51 =	vld [tilespmem:$0x60];
	v52 =	vadd.s32 $0x4400, v0;
	v55 =	vadd.s32 $0x4800, v0;
	v58 =	vadd.s32 $0x4C00, v0  }
0x2c: {  	[tilespmem:s13], [sflag:$0x1] =	stream.linear.gather [hbm4b:s7+s3], $0x6400, $0x38;
	v61 =	vadd.s32 $0x5000, v0;
	v6 =	vadd.s32 $0x5800, v0;
	v9 =	vadd.s32 $0x5C00, v0;
	[tilespmem:$0x1EE80] =	vst v63  }
0x2d: {  	v12 =	vadd.s32 $0x6000, v0;
	[tilespmem:$0x1FF10] =	vst v3;
	v3 =	vadd.s32 $0x400, v1;
	v19 =	vadd.s32 $0x1800, v1  }
0x2e: {  	[tilespmem:s14], [sflag:$0x2] =	stream.linear.gather [hbm4b:s8+s3], $0x6400, $0x38;
	v20 =	vadd.s32 $0x1800, v2;
	v22 =	vadd.s32 $0x1C00, v1;
	v23 =	vadd.s32 $0x1C00, v2;
	[tilespmem:$0x1EE80] =	vst v63  }
0x2f: {  	v25 =	vadd.s32 $0x2000, v1;
	v26 =	vadd.s32 $0x2000, v2;
	v28 =	vadd.s32 $0x2400, v1  }
0x30: {  	[tilespmem:s15], [sflag:$0x3] =	stream.linear.gather [hbm4b:s9+s3], $0x6400, $0x38;
	v29 =	vadd.s32 $0x2400, v2;
	v31 =	vadd.s32 $0x2800, v1;
	v32 =	vadd.s32 $0x2800, v2;
	[tilespmem:$0x1EE80] =	vst v63  }
0x31: {  	v34 =	vadd.s32 $0x2C00, v1;
	v35 =	vadd.s32 $0x2C00, v2;
	[tilespmem:$0x1FF20] =	vst v3;
	v3 =	vadd.s32 $0x400, v2  }
0x32: {  	v37 =	vadd.s32 $0x3000, v1;
	v38 =	vadd.s32 $0x3000, v2;
	[tilespmem:$0x1FF30] =	vst v3;
	v3 =	vadd.s32 $0x800, v0  }
0x33: {  	v40 =	vadd.s32 $0x3400, v1;
	v41 =	vadd.s32 $0x3400, v2;
	[tilespmem:$0x1FF40] =	vst v3;
	v3 =	vadd.s32 $0x800, v1  }
0x34: {  	v43 =	vadd.s32 $0x3800, v1;
	v44 =	vadd.s32 $0x3800, v2;
	[tilespmem:$0x1FF50] =	vst v3;
	v3 =	vadd.s32 $0x800, v2  }
0x35: {  	v46 =	vadd.s32 $0x3C00, v1;
	v47 =	vadd.s32 $0x3C00, v2;
	[tilespmem:$0x1FF60] =	vst v3;
	v3 =	vadd.s32 $0xC00, v0  }
0x36: {  	v49 =	vadd.s32 $0x4000, v1;
	v50 =	vadd.s32 $0x4000, v2;
	[tilespmem:$0x1FF70] =	vst v3;
	v3 =	vadd.s32 $0xC00, v1  }
0x37: {  	v53 =	vadd.s32 $0x4400, v1;
	v54 =	vadd.s32 $0x4400, v2;
	[tilespmem:$0x1FF80] =	vst v3;
	v3 =	vadd.s32 $0xC00, v2  }
0x38: {  	v56 =	vadd.s32 $0x4800, v1;
	v57 =	vadd.s32 $0x4800, v2;
	[tilespmem:$0x1FF90] =	vst v3;
	v3 =	vadd.s32 $0x1000, v0  }
0x39: {  	v59 =	vadd.s32 $0x4C00, v1;
	v60 =	vadd.s32 $0x4C00, v2;
	[tilespmem:$0x1FFA0] =	vst v3;
	v3 =	vadd.s32 $0x1000, v1  }
.Ltmp2:
0x3a: {  	v62 =	vadd.s32 $0x5000, v1;
	v63 =	vadd.s32 $0x5000, v2;
	[tilespmem:$0x1FFB0] =	vst v3;
	v3 =	vadd.s32 $0x1000, v2;
	(pc) =	sbr.rel .LBB2_2-.Ltmp2, $4  }
0x3b: {  	v4 =	vadd.s32 $0x5400, v1;
	v5 =	vadd.s32 $0x5400, v2;
	[tilespmem:$0x1FFC0] =	vst v3;
	v3 =	vadd.s32 $0x1400, v0  }
0x3c: {  	v7 =	vadd.s32 $0x5800, v1;
	v8 =	vadd.s32 $0x5800, v2;
	[tilespmem:$0x1FFD0] =	vst v3;
	v3 =	vadd.s32 $0x1400, v1  }
0x3d: {  	v10 =	vadd.s32 $0x5C00, v1;
	v11 =	vadd.s32 $0x5C00, v2;
	[tilespmem:$0x1FFE0] =	vst v3;
	v3 =	vadd.s32 $0x1400, v2  }
0x3e: {  	s19 =	simm.s32 $0x3;
	s20 =	smov.u32 s11;
	v13 =	vadd.s32 $0x6000, v1;
	v14 =	vadd.s32 $0x6000, v2;
	[tilespmem:$0x1FFF0] =	vst v3;
	v3 =	vadd.s32 $0x5400, v0  }
.LBB2_3:
0x3f: {  	s21 =	sshrl.u32 s20, $0x3  }
0x40: {  	s21 =	sadd.s32 s4, s21  }
0x41: {  	[tilespmem:s13], [sflag:$0x1] =	stream.linear.gather [hbm4b:s21+s3], $0x6400, $0x38;
	[tilespmem:$0x1EE80] =	vst v63  }
.LBB2_9:
0x42: {  	s25 =	sand.u32 $0x3, s24  }
0x43: {  	p0 =	sgt.s32 s25, $0x1  }
0x44: {  	p1 =	seq.s32 @p0 s25, $0x2  }
0x45: {  	s28 =	smul.u32 $0xCD, s24;
	p2 =	seq.s32 @!p0 s25, $0x0;
	p1 =	por !p1, !p0  }
0x46: {  	s26 =	simm.s32 $0x1;
	p2 =	por !p2, p0;
	s21 =	simm.s32 @!p1 $0x3  }
0x47: {  	s23 =	sshrl.u32 s28, $0xB;
	s26 =	simm.s32 @p2 $0x2;
	s21 =	simm.s32 @p1 $0x4  }
0x48: {  	s26 =	smov.u32 @p0 s21;
	s21 =	sand.u32 $0x1F, s23  }
0x49: {  	s22 =	smul.u32 $0xA, s21;
	_ =	sdelay $0x1  }
0x4a: {  	s28 =	ssub.s32 s24, s22  }
0x4b: {  	s23 =	sand.u32 $0x1, s23;
	s22 =	sand.u32 $0xFF, s28  }
0x4c: {  	p1 =	slt.u32 s24, $0x14;
	_ =	swait.ge [sflag:s26], $0x6400;
	s24 =	sor.u32 s22, s23  }
0x4d: {  	s29 =	sand.u32 $0x1, s21;
	[sflag:s26] =	ssyncset.done $0x0;
	p0 =	sne.s32 @!p1 s24, $0x0  }
0x4e: {  	v15 =	vadd.s32 s25, v51;
	[sflag:s26] =	ssyncadd.s32 $0xFFFF9C00;
	s26 =	sand.u32 @!p1 $0xFF, s28;
	p2 =	por p0, p1  }
0x4f: {  	v15 =	vmul.u32 $0x6400, v15;
	p3 =	sne.s32 @!p1 s26, $0x0;
	p0 =	seq.s32 s29, $0x1;
	s25 =	simm.s32 @!p2 $0x5  }
0x50: {  	p3 =	por @!p1 !p0, p3;
	_ =	swait.ge @!p2 [sflag:s25], $0x2EE0  }
0x51: {  	v16 =	vadd.s32 v15, v0;
	p1 =	por p3, p1;
	[sflag:s25] =	ssyncset.done @!p2 $0x0  }
0x52: {  	s24 =	simm.s32 @!p1 $0x6;
	[sflag:s25] =	ssyncadd.s32 @!p2 $0xFFFFD120  }
0x53: {  	_ =	swait.ge @!p1 [sflag:s24], $0x2EE0  }
0x54: {  	[sflag:s24] =	ssyncset.done @!p1 $0x0  }
0x55: {  	[sflag:s24] =	ssyncadd.s32 @!p1 $0xFFFFD120  }
0x56: {  	v16 =	vld.idx.msk [tilespmem:v16+s13+$0x0], $0xffff  }
0x57: {  	v17 =	vadd.s32 v15, v1;
	s30 =	smul.u32 $0x2EE0, s23  }
0x58: {  	s31 =	smul.u32 $0x4B0, s22;
	_ =	sdelay $0x1  }
0x59: {  	s24 =	sadd.s32 s31, s30  }
0x5a: {  	[tilespmem:s24+$0x19080] =	vst v16  }
0x5b: {  	v16 =	vld.idx.msk [tilespmem:v17+s13+$0x0], $0xffff  }
0x5c: {  	v17 =	vadd.s32 v15, v2;
	_ =	sdelay $0x3  }
0x5d: {  	[tilespmem:s24+$0x19090] =	vst v16  }
0x5e: {  	v16 =	vld.idx.msk [tilespmem:v17+s13+$0x0], $0xffff  }
0x5f: {  	v17 =	vld [tilespmem:$0x1FF10];
	_ =	sdelay $0x4  }
0x60: {  	v17 =	vadd.s32 v15, v17;
	_ =	sdelay $0x3  }
0x61: {  	[tilespmem:s24+$0x190A0] =	vst v16  }
0x62: {  	v16 =	vld.idx.msk [tilespmem:v17+s13+$0x0], $0xffff  }
0x63: {  	v17 =	vld [tilespmem:$0x1FF20];
	_ =	sdelay $0x4  }
0x64: {  	v17 =	vadd.s32 v15, v17;
	_ =	sdelay $0x3  }
0x65: {  	[tilespmem:s24+$0x190B0] =	vst v16  }
0x66: {  	v16 =	vld.idx.msk [tilespmem:v17+s13+$0x0], $0xffff  }
0x67: {  	v17 =	vld [tilespmem:$0x1FF30];
	_ =	sdelay $0x4  }
0x68: {  	v17 =	vadd.s32 v15, v17;
	_ =	sdelay $0x3  }
0x69: {  	[tilespmem:s24+$0x190C0] =	vst v16  }
0x6a: {  	v16 =	vld.idx.msk [tilespmem:v17+s13+$0x0], $0xffff  }
0x6b: {  	v17 =	vld [tilespmem:$0x1FF40];
	_ =	sdelay $0x4  }
0x6c: {  	v17 =	vadd.s32 v15, v17;
	_ =	sdelay $0x3  }
0x6d: {  	[tilespmem:s24+$0x190D0] =	vst v16  }
0x6e: {  	v16 =	vld.idx.msk [tilespmem:v17+s13+$0x0], $0xffff  }
0x6f: {  	v17 =	vld [tilespmem:$0x1FF50];
	_ =	sdelay $0x4  }
0x70: {  	v17 =	vadd.s32 v15, v17;
	_ =	sdelay $0x3  }
0x71: {  	[tilespmem:s24+$0x190E0] =	vst v16  }
0x72: {  	v16 =	vld.idx.msk [tilespmem:v17+s13+$0x0], $0xffff  }
0x73: {  	v17 =	vld [tilespmem:$0x1FF60];
	_ =	sdelay $0x4  }
0x74: {  	v17 =	vadd.s32 v15, v17;
	_ =	sdelay $0x3  }
0x75: {  	[tilespmem:s24+$0x190F0] =	vst v16  }
0x76: {  	v16 =	vld.idx.msk [tilespmem:v17+s13+$0x0], $0xffff  }
0x77: {  	v17 =	vld [tilespmem:$0x1FF70];
	_ =	sdelay $0x4  }
0x78: {  	v17 =	vadd.s32 v15, v17;
	_ =	sdelay $0x2  }
0x79: {  	s25 =	sand.u32 $0xFFF0, s24  }
0x7a: {  	[tilespmem:s25+$0x19100] =	vst v16  }
0x7b: {  	v16 =	vld.idx.msk [tilespmem:v17+s13+$0x0], $0xffff  }
0x7c: {  	v17 =	vld [tilespmem:$0x1FF80];
	_ =	sdelay $0x4  }
0x7d: {  	v17 =	vadd.s32 v15, v17;
	_ =	sdelay $0x3  }
0x7e: {  	[tilespmem:s24+$0x19110] =	vst v16  }
0x7f: {  	v16 =	vld.idx.msk [tilespmem:v17+s13+$0x0], $0xffff  }
0x80: {  	v17 =	vld [tilespmem:$0x1FF90];
	_ =	sdelay $0x4  }
0x81: {  	v17 =	vadd.s32 v15, v17;
	_ =	sdelay $0x3  }
0x82: {  	[tilespmem:s24+$0x19120] =	vst v16  }
0x83: {  	v16 =	vld.idx.msk [tilespmem:v17+s13+$0x0], $0xffff  }
0x84: {  	v17 =	vld [tilespmem:$0x1FFA0];
	_ =	sdelay $0x4  }
0x85: {  	v17 =	vadd.s32 v15, v17;
	_ =	sdelay $0x3  }
0x86: {  	[tilespmem:s24+$0x19130] =	vst v16  }
0x87: {  	v16 =	vld.idx.msk [tilespmem:v17+s13+$0x0], $0xffff  }
0x88: {  	v17 =	vld [tilespmem:$0x1FFB0];
	_ =	sdelay $0x4  }
0x89: {  	v17 =	vadd.s32 v15, v17;
	_ =	sdelay $0x3  }
0x8a: {  	[tilespmem:s24+$0x19140] =	vst v16  }
0x8b: {  	v16 =	vld.idx.msk [tilespmem:v17+s13+$0x0], $0xffff  }
0x8c: {  	v17 =	vld [tilespmem:$0x1FFC0];
	_ =	sdelay $0x4  }
0x8d: {  	v17 =	vadd.s32 v15, v17;
	_ =	sdelay $0x3  }
0x8e: {  	[tilespmem:s24+$0x19150] =	vst v16  }
0x8f: {  	v16 =	vld.idx.msk [tilespmem:v17+s13+$0x0], $0xffff  }
0x90: {  	v17 =	vld [tilespmem:$0x1FFD0];
	_ =	sdelay $0x4  }
0x91: {  	v17 =	vadd.s32 v15, v17;
	_ =	sdelay $0x3  }
0x92: {  	[tilespmem:s24+$0x19160] =	vst v16  }
0x93: {  	v16 =	vld.idx.msk [tilespmem:v17+s13+$0x0], $0xffff  }
0x94: {  	v17 =	vld [tilespmem:$0x1FFE0];
	_ =	sdelay $0x4  }
0x95: {  	v17 =	vadd.s32 v15, v17;
	_ =	sdelay $0x3  }
0x96: {  	[tilespmem:s24+$0x19170] =	vst v16  }
0x97: {  	v16 =	vld.idx.msk [tilespmem:v17+s13+$0x0], $0xffff  }
0x98: {  	v17 =	vld [tilespmem:$0x1FFF0];
	_ =	sdelay $0x4  }
0x99: {  	v17 =	vadd.s32 v15, v17;
	_ =	sdelay $0x3  }
0x9a: {  	[tilespmem:s25+$0x19180] =	vst v16  }
0x9b: {  	v16 =	vld.idx.msk [tilespmem:v17+s13+$0x0], $0xffff  }
0x9c: {  	v17 =	vadd.s32 v15, v18;
	_ =	sdelay $0x3  }
0x9d: {  	[tilespmem:s24+$0x19190] =	vst v16  }
0x9e: {  	v16 =	vld.idx.msk [tilespmem:v17+s13+$0x0], $0xffff  }
0x9f: {  	v17 =	vadd.s32 v15, v19;
	_ =	sdelay $0x3  }
0xa0: {  	[tilespmem:s24+$0x191A0] =	vst v16  }
0xa1: {  	v16 =	vld.idx.msk [tilespmem:v17+s13+$0x0], $0xffff  }
0xa2: {  	v17 =	vadd.s32 v15, v20;
	_ =	sdelay $0x3  }
0xa3: {  	[tilespmem:s24+$0x191B0] =	vst v16  }
0xa4: {  	v16 =	vld.idx.msk [tilespmem:v17+s13+$0x0], $0xffff  }
0xa5: {  	v17 =	vadd.s32 v15, v21;
	_ =	sdelay $0x3  }
0xa6: {  	[tilespmem:s24+$0x191C0] =	vst v16  }
0xa7: {  	v16 =	vld.idx.msk [tilespmem:v17+s13+$0x0], $0xffff  }
0xa8: {  	v17 =	vadd.s32 v15, v22;
	_ =	sdelay $0x3  }
0xa9: {  	[tilespmem:s24+$0x191D0] =	vst v16  }
0xaa: {  	v16 =	vld.idx.msk [tilespmem:v17+s13+$0x0], $0xffff  }
0xab: {  	v17 =	vadd.s32 v15, v23;
	_ =	sdelay $0x3  }
0xac: {  	[tilespmem:s24+$0x191E0] =	vst v16  }
0xad: {  	v16 =	vld.idx.msk [tilespmem:v17+s13+$0x0], $0xffff  }
0xae: {  	v17 =	vadd.s32 v15, v24;
	_ =	sdelay $0x3  }
0xaf: {  	[tilespmem:s24+$0x191F0] =	vst v16  }
0xb0: {  	v16 =	vld.idx.msk [tilespmem:v17+s13+$0x0], $0xffff  }
0xb1: {  	v17 =	vadd.s32 v15, v25;
	_ =	sdelay $0x3  }
0xb2: {  	[tilespmem:s25+$0x19200] =	vst v16  }
0xb3: {  	v16 =	vld.idx.msk [tilespmem:v17+s13+$0x0], $0xffff  }
0xb4: {  	v17 =	vadd.s32 v15, v26;
	_ =	sdelay $0x3  }
0xb5: {  	[tilespmem:s24+$0x19210] =	vst v16  }
0xb6: {  	v16 =	vld.idx.msk [tilespmem:v17+s13+$0x0], $0xffff  }
0xb7: {  	v17 =	vadd.s32 v15, v27;
	_ =	sdelay $0x3  }
0xb8: {  	[tilespmem:s24+$0x19220] =	vst v16  }
0xb9: {  	v16 =	vld.idx.msk [tilespmem:v17+s13+$0x0], $0xffff  }
0xba: {  	v17 =	vadd.s32 v15, v28;
	_ =	sdelay $0x3  }
0xbb: {  	[tilespmem:s24+$0x19230] =	vst v16  }
0xbc: {  	v16 =	vld.idx.msk [tilespmem:v17+s13+$0x0], $0xffff  }
0xbd: {  	v17 =	vadd.s32 v15, v29;
	_ =	sdelay $0x3  }
0xbe: {  	[tilespmem:s24+$0x19240] =	vst v16  }
0xbf: {  	v16 =	vld.idx.msk [tilespmem:v17+s13+$0x0], $0xffff  }
0xc0: {  	v17 =	vadd.s32 v15, v30;
	_ =	sdelay $0x3  }
0xc1: {  	[tilespmem:s24+$0x19250] =	vst v16  }
0xc2: {  	v16 =	vld.idx.msk [tilespmem:v17+s13+$0x0], $0xffff  }
0xc3: {  	v17 =	vadd.s32 v15, v31;
	_ =	sdelay $0x3  }
0xc4: {  	[tilespmem:s24+$0x19260] =	vst v16  }
0xc5: {  	v16 =	vld.idx.msk [tilespmem:v17+s13+$0x0], $0xffff  }
0xc6: {  	v17 =	vadd.s32 v15, v32;
	_ =	sdelay $0x3  }
0xc7: {  	[tilespmem:s24+$0x19270] =	vst v16  }
0xc8: {  	v16 =	vld.idx.msk [tilespmem:v17+s13+$0x0], $0xffff  }
0xc9: {  	v17 =	vadd.s32 v15, v33;
	_ =	sdelay $0x3  }
0xca: {  	[tilespmem:s25+$0x19280] =	vst v16  }
0xcb: {  	v16 =	vld.idx.msk [tilespmem:v17+s13+$0x0], $0xffff  }
0xcc: {  	v17 =	vadd.s32 v15, v34;
	_ =	sdelay $0x3  }
0xcd: {  	[tilespmem:s24+$0x19290] =	vst v16  }
0xce: {  	v16 =	vld.idx.msk [tilespmem:v17+s13+$0x0], $0xffff  }
0xcf: {  	v17 =	vadd.s32 v15, v35;
	_ =	sdelay $0x3  }
0xd0: {  	[tilespmem:s24+$0x192A0] =	vst v16  }
0xd1: {  	v16 =	vld.idx.msk [tilespmem:v17+s13+$0x0], $0xffff  }
0xd2: {  	v17 =	vadd.s32 v15, v36;
	_ =	sdelay $0x3  }
0xd3: {  	[tilespmem:s24+$0x192B0] =	vst v16  }
0xd4: {  	v16 =	vld.idx.msk [tilespmem:v17+s13+$0x0], $0xffff  }
0xd5: {  	v17 =	vadd.s32 v15, v37;
	_ =	sdelay $0x3  }
0xd6: {  	[tilespmem:s24+$0x192C0] =	vst v16  }
0xd7: {  	v16 =	vld.idx.msk [tilespmem:v17+s13+$0x0], $0xffff  }
0xd8: {  	v17 =	vadd.s32 v15, v38;
	_ =	sdelay $0x3  }
0xd9: {  	[tilespmem:s24+$0x192D0] =	vst v16  }
0xda: {  	v16 =	vld.idx.msk [tilespmem:v17+s13+$0x0], $0xffff  }
0xdb: {  	v17 =	vadd.s32 v15, v39;
	_ =	sdelay $0x3  }
0xdc: {  	[tilespmem:s24+$0x192E0] =	vst v16  }
0xdd: {  	v16 =	vld.idx.msk [tilespmem:v17+s13+$0x0], $0xffff  }
0xde: {  	v17 =	vadd.s32 v15, v40;
	_ =	sdelay $0x3  }
0xdf: {  	[tilespmem:s24+$0x192F0] =	vst v16  }
0xe0: {  	v16 =	vld.idx.msk [tilespmem:v17+s13+$0x0], $0xffff  }
0xe1: {  	v17 =	vadd.s32 v15, v41;
	_ =	sdelay $0x3  }
0xe2: {  	[tilespmem:s25+$0x19300] =	vst v16  }
0xe3: {  	v16 =	vld.idx.msk [tilespmem:v17+s13+$0x0], $0xffff  }
0xe4: {  	v17 =	vadd.s32 v15, v42;
	_ =	sdelay $0x3  }
0xe5: {  	[tilespmem:s24+$0x19310] =	vst v16  }
0xe6: {  	v16 =	vld.idx.msk [tilespmem:v17+s13+$0x0], $0xffff  }
0xe7: {  	v17 =	vadd.s32 v15, v43;
	_ =	sdelay $0x3  }
0xe8: {  	[tilespmem:s24+$0x19320] =	vst v16  }
0xe9: {  	v16 =	vld.idx.msk [tilespmem:v17+s13+$0x0], $0xffff  }
0xea: {  	v17 =	vadd.s32 v15, v44;
	_ =	sdelay $0x3  }
0xeb: {  	[tilespmem:s24+$0x19330] =	vst v16  }
0xec: {  	v16 =	vld.idx.msk [tilespmem:v17+s13+$0x0], $0xffff  }
0xed: {  	v17 =	vadd.s32 v15, v45;
	_ =	sdelay $0x3  }
0xee: {  	[tilespmem:s24+$0x19340] =	vst v16  }
0xef: {  	v16 =	vld.idx.msk [tilespmem:v17+s13+$0x0], $0xffff  }
0xf0: {  	v17 =	vadd.s32 v15, v46;
	_ =	sdelay $0x3  }
0xf1: {  	[tilespmem:s24+$0x19350] =	vst v16  }
0xf2: {  	v16 =	vld.idx.msk [tilespmem:v17+s13+$0x0], $0xffff  }
0xf3: {  	v17 =	vadd.s32 v15, v47;
	_ =	sdelay $0x3  }
0xf4: {  	[tilespmem:s24+$0x19360] =	vst v16  }
0xf5: {  	v16 =	vld.idx.msk [tilespmem:v17+s13+$0x0], $0xffff  }
0xf6: {  	v17 =	vadd.s32 v15, v48;
	_ =	sdelay $0x3  }
0xf7: {  	[tilespmem:s24+$0x19370] =	vst v16  }
0xf8: {  	v16 =	vld.idx.msk [tilespmem:v17+s13+$0x0], $0xffff  }
0xf9: {  	v17 =	vadd.s32 v15, v49;
	_ =	sdelay $0x3  }
0xfa: {  	[tilespmem:s25+$0x19380] =	vst v16  }
0xfb: {  	v16 =	vld.idx.msk [tilespmem:v17+s13+$0x0], $0xffff  }
0xfc: {  	v17 =	vadd.s32 v15, v50;
	_ =	sdelay $0x3  }
0xfd: {  	[tilespmem:s24+$0x19390] =	vst v16  }
0xfe: {  	v16 =	vld.idx.msk [tilespmem:v17+s13+$0x0], $0xffff  }
0xff: {  	v17 =	vadd.s32 v15, v52;
	_ =	sdelay $0x3  }
0x100: {  	[tilespmem:s24+$0x193A0] =	vst v16  }
0x101: {  	v16 =	vld.idx.msk [tilespmem:v17+s13+$0x0], $0xffff  }
0x102: {  	v17 =	vadd.s32 v15, v53;
	_ =	sdelay $0x3  }
0x103: {  	[tilespmem:s24+$0x193B0] =	vst v16  }
0x104: {  	v16 =	vld.idx.msk [tilespmem:v17+s13+$0x0], $0xffff  }
0x105: {  	v17 =	vadd.s32 v15, v54;
	_ =	sdelay $0x3  }
0x106: {  	[tilespmem:s24+$0x193C0] =	vst v16  }
0x107: {  	v16 =	vld.idx.msk [tilespmem:v17+s13+$0x0], $0xffff  }
0x108: {  	v17 =	vadd.s32 v15, v55;
	_ =	sdelay $0x3  }
0x109: {  	[tilespmem:s24+$0x193D0] =	vst v16  }
0x10a: {  	v16 =	vld.idx.msk [tilespmem:v17+s13+$0x0], $0xffff  }
0x10b: {  	v17 =	vadd.s32 v15, v56;
	_ =	sdelay $0x3  }
0x10c: {  	[tilespmem:s24+$0x193E0] =	vst v16  }
0x10d: {  	v16 =	vld.idx.msk [tilespmem:v17+s13+$0x0], $0xffff  }
0x10e: {  	v17 =	vadd.s32 v15, v57;
	_ =	sdelay $0x3  }
0x10f: {  	[tilespmem:s24+$0x193F0] =	vst v16  }
0x110: {  	v16 =	vld.idx.msk [tilespmem:v17+s13+$0x0], $0xffff  }
0x111: {  	v17 =	vadd.s32 v15, v58;
	_ =	sdelay $0x3  }
0x112: {  	[tilespmem:s25+$0x19400] =	vst v16  }
0x113: {  	v16 =	vld.idx.msk [tilespmem:v17+s13+$0x0], $0xffff  }
0x114: {  	v17 =	vadd.s32 v15, v59;
	_ =	sdelay $0x3  }
0x115: {  	[tilespmem:s24+$0x19410] =	vst v16  }
0x116: {  	v16 =	vld.idx.msk [tilespmem:v17+s13+$0x0], $0xffff  }
0x117: {  	v17 =	vadd.s32 v15, v60;
	_ =	sdelay $0x3  }
0x118: {  	[tilespmem:s24+$0x19420] =	vst v16  }
0x119: {  	v16 =	vld.idx.msk [tilespmem:v17+s13+$0x0], $0xffff  }
0x11a: {  	v17 =	vadd.s32 v15, v61;
	_ =	sdelay $0x3  }
0x11b: {  	[tilespmem:s24+$0x19430] =	vst v16  }
0x11c: {  	v16 =	vld.idx.msk [tilespmem:v17+s13+$0x0], $0xffff  }
0x11d: {  	v17 =	vadd.s32 v15, v62;
	_ =	sdelay $0x3  }
0x11e: {  	[tilespmem:s24+$0x19440] =	vst v16  }
0x11f: {  	v16 =	vld.idx.msk [tilespmem:v17+s13+$0x0], $0xffff  }
0x120: {  	v17 =	vadd.s32 v15, v63;
	_ =	sdelay $0x3  }
0x121: {  	[tilespmem:s24+$0x19450] =	vst v16  }
0x122: {  	v16 =	vld.idx.msk [tilespmem:v17+s13+$0x0], $0xffff  }
0x123: {  	v17 =	vadd.s32 v15, v3;
	_ =	sdelay $0x3  }
0x124: {  	[tilespmem:s24+$0x19460] =	vst v16  }
0x125: {  	v16 =	vld.idx.msk [tilespmem:v17+s13+$0x0], $0xffff  }
0x126: {  	v17 =	vadd.s32 v15, v4;
	_ =	sdelay $0x3  }
0x127: {  	[tilespmem:s24+$0x19470] =	vst v16  }
0x128: {  	v16 =	vld.idx.msk [tilespmem:v17+s13+$0x0], $0xffff  }
0x129: {  	v17 =	vadd.s32 v15, v5;
	_ =	sdelay $0x3  }
0x12a: {  	[tilespmem:s25+$0x19480] =	vst v16  }
0x12b: {  	v16 =	vld.idx.msk [tilespmem:v17+s13+$0x0], $0xffff  }
0x12c: {  	v17 =	vadd.s32 v15, v6;
	_ =	sdelay $0x3  }
0x12d: {  	[tilespmem:s24+$0x19490] =	vst v16  }
0x12e: {  	v16 =	vld.idx.msk [tilespmem:v17+s13+$0x0], $0xffff  }
0x12f: {  	v17 =	vadd.s32 v15, v7;
	_ =	sdelay $0x3  }
0x130: {  	[tilespmem:s24+$0x194A0] =	vst v16  }
0x131: {  	v16 =	vld.idx.msk [tilespmem:v17+s13+$0x0], $0xffff  }
0x132: {  	v17 =	vadd.s32 v15, v8;
	_ =	sdelay $0x3  }
0x133: {  	[tilespmem:s24+$0x194B0] =	vst v16  }
0x134: {  	v16 =	vld.idx.msk [tilespmem:v17+s13+$0x0], $0xffff  }
0x135: {  	v17 =	vadd.s32 v15, v9;
	_ =	sdelay $0x3  }
0x136: {  	[tilespmem:s24+$0x194C0] =	vst v16  }
0x137: {  	v16 =	vld.idx.msk [tilespmem:v17+s13+$0x0], $0xffff  }
0x138: {  	v17 =	vadd.s32 v15, v10;
	_ =	sdelay $0x3  }
0x139: {  	[tilespmem:s24+$0x194D0] =	vst v16  }
0x13a: {  	v16 =	vld.idx.msk [tilespmem:v17+s13+$0x0], $0xffff  }
0x13b: {  	v17 =	vadd.s32 v15, v11;
	_ =	sdelay $0x3  }
0x13c: {  	[tilespmem:s24+$0x194E0] =	vst v16  }
0x13d: {  	v16 =	vld.idx.msk [tilespmem:v17+s13+$0x0], $0xffff  }
0x13e: {  	v17 =	vadd.s32 v15, v12;
	_ =	sdelay $0x3  }
0x13f: {  	[tilespmem:s24+$0x194F0] =	vst v16  }
0x140: {  	v16 =	vld.idx.msk [tilespmem:v17+s13+$0x0], $0xffff  }
0x141: {  	v17 =	vadd.s32 v15, v13;
	_ =	sdelay $0x3  }
0x142: {  	[tilespmem:s25+$0x19500] =	vst v16  }
0x143: {  	v16 =	vld.idx.msk [tilespmem:v17+s13+$0x0], $0xffff  }
0x144: {  	v15 =	vadd.s32 v15, v14;
	_ =	sdelay $0x2  }
0x145: {  	p1 =	sne.s32 s22, $0x9  }
0x146: {  	p2 =	sne.s32 @!p1 s23, $0x0;
	[tilespmem:s24+$0x19510] =	vst v16  }
0x147: {  	p0 =	por !p0, !p0;
	p2 =	por p2, p1;
	v15 =	vld.idx.msk [tilespmem:v15+s13+$0x0], $0xffff  }
0x148: {  	p0 =	por p1, p0;
	s22 =	smul.u32 @!p2 $0x2EE0, s21  }
0x149: {  	s21 =	smul.u32 @!p0 $0x2EE0, s21  }
0x14a: {  	s19 =	sadd.s32 $0x1, s19;
	s22 =	sadd.s32 @!p2 s6, s22  }
0x14b: {  	s23 =	simm.s32 @!p2 $0x0;
	s21 =	sadd.s32 @!p0 s6, s21;
	s22 =	sshrl.u32 @!p2 s22, $0x3  }
0x14c: {  	s21 =	sshrl.u32 @!p0 s21, $0x3;
	s22 =	sadd.s32 @!p2 s5, s22;
	[tilespmem:s24+$0x19520] =	vst v15;
	s24 =	simm.s32 @!p2 $0x19080  }
0x14d: {  	[hbm4b:s22+s23] =	stream.linear.scatter @!p2 [tilespmem:s24], [sflag:$0x5], $0x2EE0, $0x38;
	[tilespmem:$0x1EE80] =	vst v63  }
0x14e: {  	s21 =	sadd.s32 @!p0 s5, s21;
	s22 =	simm.s32 @!p0 $0x0;
	s23 =	simm.s32 @!p0 $0x1BF60  }
0x14f: {  	[hbm4b:s21+s22] =	stream.linear.scatter @!p0 [tilespmem:s23], [sflag:$0x6], $0x2EE0, $0x38;
	[tilespmem:$0x1EE80] =	vst v63  }
0x150: {  	p0 =	sne.s32 s19, $0xFD  }
.Ltmp3:
0x151: {  	_ = 	snop;
	(pc) =	sbr.rel @!p0 .LBB2_10-.Ltmp3, $2  }
0x152: {  	_ =	sdelay $0x2  }
0x153: {  	s20 =	sadd.s32 $0x6400, s20  }
.LBB2_2:
0x154: {  	s24 =	sadd.s32 $0xFFFFFFFD, s19  }
0x155: {  	s21 =	sand.u32 $0x3, s19;
	p0 =	sgt.u32 s24, $0xF6  }
0x156: {  	p1 =	sne.s32 @!p0 s21, $0x0  }
0x157: {  	p1 =	por p0, p1  }
.Ltmp4:
0x158: {  	_ = 	snop;
	(pc) =	sbr.rel @!p1 .LBB2_3-.Ltmp4, $1  }
0x159: {  	_ =	sdelay $0x3  }
0x15a: {  	p1 =	sne.s32 @!p0 s21, $0x1  }
0x15b: {  	p1 =	por p0, p1  }
.Ltmp5:
0x15c: {  	_ = 	snop;
	(pc) =	sbr.rel @p1 .LBB2_6-.Ltmp5, $1  }
0x15d: {  	_ =	sdelay $0x3  }
.Ltmp6:
0x15e: {  	(pc) =	sbr.rel .LBB2_9-.Ltmp6, $4  }
0x15f: {  	_ = 	snop  }
0x160: {  	s21 =	sshrl.u32 s20, $0x3  }
0x161: {  	s21 =	sadd.s32 s4, s21  }
0x162: {  	[tilespmem:s14], [sflag:$0x2] =	stream.linear.gather [hbm4b:s21+s3], $0x6400, $0x38;
	[tilespmem:$0x1EE80] =	vst v63  }
.LBB2_6:
0x163: {  	p1 =	sne.s32 @!p0 s21, $0x2  }
0x164: {  	p1 =	por p0, p1  }
.Ltmp7:
0x165: {  	_ = 	snop;
	(pc) =	sbr.rel @p1 .LBB2_8-.Ltmp7, $1  }
0x166: {  	_ =	sdelay $0x3  }
.Ltmp8:
0x167: {  	(pc) =	sbr.rel .LBB2_9-.Ltmp8, $4  }
0x168: {  	_ = 	snop  }
0x169: {  	s21 =	sshrl.u32 s20, $0x3  }
0x16a: {  	s21 =	sadd.s32 s4, s21  }
0x16b: {  	[tilespmem:s15], [sflag:$0x3] =	stream.linear.gather [hbm4b:s21+s3], $0x6400, $0x38;
	[tilespmem:$0x1EE80] =	vst v63  }
.LBB2_8:
.Ltmp9:
0x16c: {  	p1 =	sne.s32 @!p0 s21, $0x3;
	(pc) =	sbr.rel .LBB2_9-.Ltmp9, $4  }
0x16d: {  	p0 =	por p1, p0  }
0x16e: {  	s21 =	sshrl.u32 @!p0 s20, $0x3  }
0x16f: {  	s22 =	simm.s32 @!p0 $0x0;
	s23 =	simm.s32 @!p0 $0x12C80;
	s21 =	sadd.s32 @!p0 s4, s21  }
0x170: {  	[tilespmem:s23], [sflag:$0x4] =	stream.linear.gather @!p0 [hbm4b:s21+s22], $0x6400, $0x38;
	[tilespmem:$0x1EE80] =	vst v63  }
.LBB2_11:
0x171: {  	_ =	sfence.sel $0x180000  }
0x172: {  	[bflag:$0x0] =	sbarrier.arrive $0xFFFF  }
0x173: {  	p0 =	sne.s32 s0, $0x0;
	_ =	strace $0x90000047  }
0x174: {  	s0 =	sadd.s32 @!p0 $0x100000, s1;
	[bflag:$0x2] =	sbarrier.arrive $0xFFFF  }
0x175: {  	[sflag:s0] =	ssyncadd.tile.s32 @!p0 $0x1;
	_ =	shalt  }
.Lfunc_end2:
_tile_overlayer_lowered:
.L_overlay_start_2:
0x176: {  	(tag) =	ssettag $0x2  }
0x177: {  	s0 =	rddreg [dreg:$0x0];
	s2 =	stileid.u32  }
0x178: {  	s1 =	rddreg [dreg:$0x1];
	p0 =	sne.s32 s2, $0x0  }
0x179: {  	s3 =	rddreg [dreg:$0x2];
	[bflag:$0x3] =	sbarrier.arrive $0xFFFF;
	s2 =	simm.s32 @!p0 $0x1C07  }
0x17a: {  	[timem:s3], [sflag:s2] =	dma.local @!p0 [hbm:s0], s1  }
0x17b: {  	s0 =	simm.s32 @!p0 $0x7  }
0x17c: {  	_ =	swait.ge @!p0 [sflag:s0], s1  }
0x17d: {  	s1 =	ssub.s32 @!p0 $0x0, s1;
	[sflag:s0] =	ssyncset.done @!p0 $0x0  }
0x17e: {  	[sflag:s0] =	ssyncadd.s32 @!p0 s1  }
0x17f: {  	[bflag:$0x3] =	sbarrier.arrive $0xFFFF  }
0x180: {  	_ =	shalt  }

// kernel: kernel.7.cloned.1.call-start
scs
__scs_entry_jumppad:
0x0: {  	(pc) =	sbr.rel $0x88, $3  }
0x1: {  	(tag) =	ssettag $0x0;
	lr =	simm.s32 $0x1  }
0x2: {  	[smem:$0x3FA0] =	sst lr;
	_ =	strace $0xD0000000  }
0x3: {  	_ = 	snop  }
0x4: {  	_ = 	snop  }
0x5: {  	_ = 	snop  }
0x6: {  	_ = 	snop  }
0x7: {  	_ = 	snop  }
__scs_overlays_trampoline_lowered:
0x8: {  	[smem:$0x3FAF] =	sst s0  }
0x9: {  	[smem:$0x3FB0] =	sst s1  }
0xa: {  	[smem:$0x3FB1] =	sst s2  }
0xb: {  	[smem:$0x3FB2] =	sst s3  }
0xc: {  	[smem:$0x3FB3] =	sst s4  }
0xd: {  	[smem:$0x3FB4] =	sst s5  }
0xe: {  	[smem:$0x3FB5] =	sst s6  }
0xf: {  	[smem:$0x3FB6] =	sst s7  }
0x10: {  	[smem:$0x3FB7] =	sst s8  }
0x11: {  	[smem:$0x3FB8] =	sst s9;
	s0 =	simm.s32 @!p0 $0x0  }
0x12: {  	s1 =	sld [smem:$0x3F9E];
	s0 =	simm.s32 @p0 $0x1  }
0x13: {  	[smem:$0x3FB9] =	sst s0;
	s0 =	simm.s32 @!p1 $0x0  }
0x14: {  	s2 =	sld [smem:$0x3F9D];
	s0 =	simm.s32 @p1 $0x1  }
0x15: {  	[smem:$0x3FBA] =	sst s0;
	s0 =	simm.s32 @!p2 $0x0  }
0x16: {  	s3 =	sld [smem:$0x3FDB];
	s0 =	simm.s32 @p2 $0x1  }
0x17: {  	s4 =	simm.s32 $0x1BF5;
	[smem:$0x3FBC] =	sst s0  }
0x18: {  	s0 =	sld [smem:$0x3F9F];
	_ =	swait.ge [sflag:s4], $0x0  }
0x19: {  	s7 =	sld [smem:$0x3FA0]  }
0x1a: {  	s8 =	sadd.s32 $0xFFFFE003, lr  }
0x1b: {  	s9 =	sadd.s32 $0xFFFFFEF7, lr;
	s5 =	simm.s32 $0xFFFFFFFF;
	p2 =	slt.u32 s8, $0xFFFFF086  }
0x1c: {  	p1 =	slt.u32 s9, $0xF7A;
	s5 =	simm.s32 @!p2 $0x0  }
0x1d: {  	s5 =	simm.s32 @p1 $0x1;
	p0 =	seq.s32 s7, s2  }
0x1e: {  	s7 =	smul.u32 @!p0 $0xF7A, s2;
	p2 =	seq.s32 @!p0 s5, $0x0  }
0x1f: {  	s9 =	smul.u32 $0xF7A, s1;
	s8 =	simm.s32 @!p0 $0x1BF5;
	p2 =	por !p2, p0  }
0x20: {  	[sflag:s8] =	ssyncset.s32 @!p0 $0xFFFFF086;
	s6 =	sadd.s32 @!p0 s3, s7;
	s7 =	simm.s32 @!p0 $0x108  }
0x21: {  	s3 =	sadd.s32 s3, s9;
	s6 =	sadd.s32 @!p0 $0x88, s6;
	s7 =	simm.s32 @p2 $0x1082  }
0x22: {  	[simem:s7], [sflag:s8] =	dma.local @!p0 [hbm:s6], $0xF7A  }
0x23: {  	s9 =	sor.u32 $0xD0000000, s2;
	s6 =	simm.s32 $0x108;
	_ =	swait.ge @!p0 [sflag:s8], $0x0  }
0x24: {  	s3 =	sadd.s32 $0x88, s3;
	s6 =	simm.s32 @!p1 $0x1082;
	[sflag:s4] =	ssyncset.s32 $0xFFFFF086  }
0x25: {  	[simem:s6], [sflag:s4] =	dma.local [hbm:s3], $0xF7A  }
0x26: {  	[smem:$0x3FA0] =	sst s1;
	(tag) =	ssettag s2;
	_ =	strace s9  }
0x27: {  	s1 =	sld [smem:$0x3FB0]  }
0x28: {  	s2 =	sld [smem:$0x3FB1]  }
0x29: {  	s4 =	sld [smem:$0x3FB3]  }
0x2a: {  	p0 =	seq.s32 s5, $0x0;
	s5 =	sld [smem:$0x3FB4]  }
0x2b: {  	s6 =	sld [smem:$0x3FB5]  }
0x2c: {  	s7 =	sld [smem:$0x3FB6]  }
0x2d: {  	s3 =	simm.s32 $0x108;
	s8 =	sld [smem:$0x3FB7]  }
0x2e: {  	s3 =	simm.s32 @!p0 $0x1082;
	s9 =	sld [smem:$0x3FB8]  }
0x2f: {  	lr =	sadd.s32 s0, s3;
	s0 =	sld [smem:$0x3FAF]  }
0x30: {  	s3 =	sld [smem:$0x3FB2]  }
0x31: {  	[smem:$0x3FBB] =	sst s10  }
0x32: {  	s10 =	sld [smem:$0x3FB9];
	_ =	sdelay $0x3  }
0x33: {  	p0 =	seq.s32 s10, $0x1;
	s10 =	sld [smem:$0x3FBB];
	_ =	sdelay $0x3  }
0x34: {  	[smem:$0x3FBB] =	sst s10  }
0x35: {  	s10 =	sld [smem:$0x3FBA];
	_ =	sdelay $0x3  }
0x36: {  	p1 =	seq.s32 s10, $0x1;
	s10 =	sld [smem:$0x3FBB];
	_ =	sdelay $0x3  }
0x37: {  	[smem:$0x3FBB] =	sst s10  }
0x38: {  	s10 =	sld [smem:$0x3FBC]  }
0x39: {  	_ = 	snop;
	(pc) =	sbr.ind lr, $3  }
0x3a: {  	_ = 	snop  }
0x3b: {  	_ = 	snop  }
0x3c: {  	p2 =	seq.s32 s10, $0x1;
	s10 =	sld [smem:$0x3FBB]  }
0x3d: {  	_ =	shalt  }
0x3e: {  	_ =	shalt  }
0x3f: {  	_ =	shalt  }
0x40: {  	_ =	shalt  }
0x41: {  	_ =	shalt  }
0x42: {  	_ =	shalt  }
0x43: {  	_ =	shalt  }
0x44: {  	_ =	shalt  }
0x45: {  	_ =	shalt  }
0x46: {  	_ =	shalt  }
0x47: {  	_ =	shalt  }
0x48: {  	_ =	shalt  }
0x49: {  	_ =	shalt  }
0x4a: {  	_ =	shalt  }
0x4b: {  	_ =	shalt  }
0x4c: {  	_ =	shalt  }
0x4d: {  	_ =	shalt  }
0x4e: {  	_ =	shalt  }
0x4f: {  	_ =	shalt  }
0x50: {  	_ =	shalt  }
0x51: {  	_ =	shalt  }
0x52: {  	_ =	shalt  }
0x53: {  	_ =	shalt  }
0x54: {  	_ =	shalt  }
0x55: {  	_ =	shalt  }
0x56: {  	_ =	shalt  }
0x57: {  	_ =	shalt  }
0x58: {  	_ =	shalt  }
0x59: {  	_ =	shalt  }
0x5a: {  	_ =	shalt  }
0x5b: {  	_ =	shalt  }
0x5c: {  	_ =	shalt  }
0x5d: {  	_ =	shalt  }
0x5e: {  	_ =	shalt  }
0x5f: {  	_ =	shalt  }
0x60: {  	_ =	shalt  }
0x61: {  	_ =	shalt  }
0x62: {  	_ =	shalt  }
0x63: {  	_ =	shalt  }
0x64: {  	_ =	shalt  }
0x65: {  	_ =	shalt  }
0x66: {  	_ =	shalt  }
0x67: {  	_ =	shalt  }
0x68: {  	_ =	shalt  }
0x69: {  	_ =	shalt  }
0x6a: {  	_ =	shalt  }
0x6b: {  	_ =	shalt  }
0x6c: {  	_ =	shalt  }
0x6d: {  	_ =	shalt  }
0x6e: {  	_ =	shalt  }
0x6f: {  	_ =	shalt  }
0x70: {  	_ =	shalt  }
0x71: {  	_ =	shalt  }
0x72: {  	_ =	shalt  }
0x73: {  	_ =	shalt  }
0x74: {  	_ =	shalt  }
0x75: {  	_ =	shalt  }
0x76: {  	_ =	shalt  }
0x77: {  	_ =	shalt  }
0x78: {  	_ =	shalt  }
0x79: {  	_ =	shalt  }
0x7a: {  	_ =	shalt  }
0x7b: {  	_ =	shalt  }
0x7c: {  	_ =	shalt  }
0x7d: {  	_ =	shalt  }
0x7e: {  	_ =	shalt  }
0x7f: {  	_ =	shalt  }
0x80: {  	_ =	shalt  }
0x81: {  	_ =	shalt  }
0x82: {  	_ =	shalt  }
0x83: {  	_ =	shalt  }
0x84: {  	_ =	shalt  }
0x85: {  	_ =	shalt  }
0x86: {  	_ =	shalt  }
0x87: {  	_ =	shalt  }
.Lfunc_end0:
.L_simem_size_0:
called_computation.1_lowered:
.L_overlay_start_0:
0x88: {  	s2 =	sld [smem:$0x3FD9]  }
0x89: {  	s3 =	sld [smem:$0x3FFE];
	_ =	sdelay $0x1  }
0x8a: {  	s1 =	srdreg.scid  }
0x8b: {  	s0 =	sand.u32 $0x1, s1  }
0x8c: {  	s17 =	sshll.u32 s0, $0xA;
	s2 =	sadd.s32 s3, s2  }
0x8d: {  	s2 =	sadd.s32 s2, s17  }
0x8e: {  	[smem:$0x3FC7] =	sst s2  }
0x8f: {  	_ = 	snop  }
0x90: {  	s2 =	sld [smem:$0x3FD0];
	(tm) =	ssettm $0x1  }
0x91: {  	s18 =	sld [smem:$0x3FFB];
	_ =	sdelay $0x3  }
0x92: {  	_ =	strace s18  }
0x93: {  	s3 =	sld [smem:$0x3FFC];
	_ =	sdelay $0x3  }
0x94: {  	_ =	strace s3  }
0x95: {  	s3 =	sld [smem:$0x3FFD];
	_ =	sdelay $0x3  }
0x96: {  	_ =	strace s3  }
0x97: {  	_ =	strace $0x8FFFFFFF  }
0x98: {  	s19 =	sld [smem:$0x3FDB];
	_ =	sdelay $0x1  }
0x99: {  	s4 =	simm.s32 $_scs_section_size  }
0x9a: {  	s5 =	simm.s32 $_size__tile_overlayer_lowered;
	s6 =	simm.s32 $_tile_overlayer_lowered  }
0x9b: {  	s22 =	simm.s32 $0x1BFF;
	s21 =	sshll.u32 s6, $0x1;
	s3 =	sadd.s32 s4, s19  }
0x9c: {  	s7 =	simm.s32 $0x0;
	s20 =	sshll.u32 s5, $0x1;
	s5 =	sadd.s32 s21, s3  }
0x9d: {  	[timem:s7], [sflag:s22] =	dma.local [hbm:s5], s20  }
0x9e: {  	_ =	swait.ge [sflag:s22], s20  }
0x9f: {  	s4 =	ssub.s32 $0x0, s20;
	[sflag:s22] =	ssyncset.done $0x0  }
0xa0: {  	[sflag:s22] =	ssyncadd.s32 s4;
	_ =	sdelay $0x1  }
0xa1: {  	s23 =	simm.s32 $0x1B8B  }
0xa2: {  	_ =	swait.ge [sflag:s23], $0x1  }
0xa3: {  	[sflag:s23] =	ssyncset.done $0x0  }
0xa4: {  	s25 =	simm.s32 $0x1B8E;
	s24 =	sld [smem:$0x3FFE];
	[sflag:s23] =	ssyncadd.s32 $0xFFFFFFFF  }
0xa5: {  	s26 =	simm.s32 $execute0_lowered;
	[smem:$0x3FD2] =	sst s25  }
0xa6: {  	s5 =	sshll.u32 s26, $0x1;
	_ =	strace $0x80000049;
	[dreg:$0x1] =	wrdreg $0xFFFFFFFF  }
0xa7: {  	s28 =	simm.s32 $_size_execute0_lowered;
	s3 =	sadd.s32 s3, s5;
	[dreg:$0x0] =	wrdreg $0x0  }
0xa8: {  	s5 =	sshll.u32 s28, $0x1;
	[dreg:$0x2] =	wrdreg s3  }
0xa9: {  	[dreg:$0x3] =	wrdreg s5  }
0xaa: {  	[dreg:$0x4] =	wrdreg $0xC0  }
0xab: {  	_ =	task [dreg:s7], $0x5FFFF  }
0xac: {  	[dreg:$0x1] =	wrdreg $0xFFFFFFFF  }
0xad: {  	[dreg:$0x0] =	wrdreg $0x60  }
0xae: {  	[dreg:$0x2] =	wrdreg s24  }
0xaf: {  	[dreg:$0x3] =	wrdreg s2  }
0xb0: {  	[dreg:$0x4] =	wrdreg $0x9  }
0xb1: {  	_ =	task.clear_ibuf [dreg:s7], $0x5FFFF;
	_ =	strace $0x90000049  }
0xb2: {  	s29 =	simm.s32 $0x9;
	_ =	strace $0x8000004B  }
0xb3: {  	_ =	swait.ge [sflag:s29], $0x1  }
0xb4: {  	[sflag:s29] =	ssyncadd.s32 $0xFFFFFFFF  }
0xb5: {  	_ =	strace $0x9000004B  }
0xb6: {  	_ =	sfence  }
0xb7: {  	s30 =	sld [smem:$0x0];
	_ =	sdelay $0x2  }
0xb8: {  	s31 =	sshll.u32 s1, $0xD;
	s1 =	sshrl.u32 s1, $0x2  }
0xb9: {  	s3 =	sand.u32 $0x4000, s31;
	s1 =	sadd.s32 s1, s30  }
0xba: {  	s0 =	sor.u32 s3, s0;
	s1 =	sshll.u32 s1, $0x11  }
0xbb: {  	s0 =	sor.u32 s1, s0  }
0xbc: {  	s0 =	sadd.s32 $0x8F2B, s0  }
0xbd: {  	[sflag:s0] =	ssyncadd.remote.s32 $0x1  }
0xbe: {  	_ =	sfence.sel $0xFFFF  }
0xbf: {  	[dreg:$0x0] =	wrdreg $0xFFFFFFFF;
	(pc) =	sbr.abs _section_cstart, $3  }
0xc0: {  	[dreg:$0x1] =	wrdreg $0xFFFFFFFF  }
0xc1: {  	_ =	task.clear_ibuf [dreg:s7], $0x2FFFF;
	_ =	strace $0x9FFFFFFF  }
0xc2: {  	(tm) =	ssettm $0x7FFFFFFF  }
0xc3: {  	_ =	shalt  }
tec
execute0_lowered:
.L_overlay_start_1:
0x0: {  	(tag) =	ssettag $0x1  }
0x1: {  	s4 =	rddreg [dreg:$0x0];
	s1 =	srdreg.scid  }
0x2: {  	s0 =	stileid.u32;
	s5 =	rddreg [dreg:$0x1]  }
0x3: {  	s2 =	simm.s32 $0x0;
	s9 =	simm.s32 $0x1;
	s10 =	simm.s32 $0x3000  }
0x4: {  	s11 =	simm.s32 $0x0;
	s3 =	sand.u32 $0x1, s1;
	s6 =	sshll.u32 s0, $0x1  }
0x5: {  	s1 =	rddreg [dreg:$0x2];
	s6 =	sor.u32 s3, s6;
	s7 =	ssub.s32 $0x2, s3  }
0x6: {  	[smem:$0x7FF] =	sst s2;
	s6 =	smul.u32 $0x600, s6;
	s31 =	sshrl.u32 s7, $0x1  }
0x7: {  	_ =	strace $0x8000004A;
	s3 =	sadd.s32 $0x186AC00, s4;
	s7 =	ssub.s32 s7, s31  }
0x8: {  	s8 =	sadd.s32 s6, s4;
	s4 =	sadd.s32 s5, s6;
	s6 =	smax.u32 s7, $0x1  }
0x9: {  	s7 =	simm.s32 $0x2;
	s5 =	sadd.s32 $0xC00, s8;
	s8 =	simm.s32 $0x80  }
.LBB2_1:
0xa: {  	[tilespmem:s2], [sflag:$0x2] =	stream.linear.gather [hbm4b:s4+s2], $0x3000, $0x38;
	[tilespmem:$0x6000] =	vst v63  }
0xb: {  	_ =	swait.ge [sflag:s7], $0x3000  }
0xc: {  	s12 =	simm.s32 $0x200;
	[sflag:s7] =	ssyncset.done $0x0  }
0xd: {  	s13 =	simm.s32 $0x0;
	s14 =	simm.s32 $0x3000;
	[sflag:s7] =	ssyncadd.s32 $0xFFFFD000  }
.LBB2_2:
0xe: {  	[tilespmem:s14], [sflag:$0x1] =	stream.indirect.gather [hbm4b:s3+s8], $0x1, s13, s8, $0xb8;
	[tilespmem:$0x6000] =	vst v63  }
0xf: {  	s13 =	smov.u32 s12;
	p0 =	sne.s32 s12, $0xBE00  }
.Ltmp0:
0x10: {  	s12 =	sadd.s32 $0x200, s12;
	(pc) =	sbr.rel @p0 .LBB2_2-.Ltmp0, $3  }
0x11: {  	_ =	sdelay $0x1  }
0x12: {  	s13 =	sshra.s32 s13, $0x2  }
0x13: {  	s14 =	sadd.s32 $0x3000, s13  }
0x14: {  	[tilespmem:s14], [sflag:$0x1] =	stream.indirect.gather [hbm4b:s3+s8], $0x1, s13, s8, $0xb8;
	[tilespmem:$0x6000] =	vst v63  }
0x15: {  	s11 =	sadd.s32 $0x1, s11;
	_ =	swait.ge [sflag:s9], $0x3000  }
0x16: {  	p0 =	sne.s32 s11, s6;
	[sflag:s9] =	ssyncset.done $0x0  }
.Ltmp1:
0x17: {  	[sflag:s9] =	ssyncadd.s32 $0xFFFFD000;
	(pc) =	sbr.rel @p0 .LBB2_1-.Ltmp1, $4  }
0x18: {  	[hbm4b:s5+s2] =	stream.linear.scatter [tilespmem:s10], [sflag:$0x2], $0x3000, $0x38;
	[tilespmem:$0x6000] =	vst v63  }
0x19: {  	_ =	swait.ge [sflag:s7], $0x3000  }
0x1a: {  	[sflag:s7] =	ssyncset.done $0x0  }
0x1b: {  	[sflag:s7] =	ssyncadd.s32 $0xFFFFD000  }
0x1c: {  	_ =	sfence.sel $0x180000  }
0x1d: {  	[bflag:$0x0] =	sbarrier.arrive $0xFFFF  }
0x1e: {  	p0 =	sne.s32 s0, $0x0;
	_ =	strace $0x9000004A  }
0x1f: {  	s0 =	sadd.s32 @!p0 $0x100000, s1;
	[bflag:$0x2] =	sbarrier.arrive $0xFFFF  }
0x20: {  	[sflag:s0] =	ssyncadd.tile.s32 @!p0 $0x1;
	_ =	shalt  }
.Lfunc_end2:
_tile_overlayer_lowered:
.L_overlay_start_2:
0x21: {  	(tag) =	ssettag $0x2  }
0x22: {  	s0 =	rddreg [dreg:$0x0];
	s2 =	stileid.u32  }
0x23: {  	s1 =	rddreg [dreg:$0x1];
	p0 =	sne.s32 s2, $0x0  }
0x24: {  	s3 =	rddreg [dreg:$0x2];
	[bflag:$0x3] =	sbarrier.arrive $0xFFFF;
	s2 =	simm.s32 @!p0 $0x1C02  }
0x25: {  	[timem:s3], [sflag:s2] =	dma.local @!p0 [hbm:s0], s1  }
0x26: {  	s0 =	simm.s32 @!p0 $0x2  }
0x27: {  	_ =	swait.ge @!p0 [sflag:s0], s1  }
0x28: {  	s1 =	ssub.s32 @!p0 $0x0, s1;
	[sflag:s0] =	ssyncset.done @!p0 $0x0  }
0x29: {  	[sflag:s0] =	ssyncadd.s32 @!p0 s1  }
0x2a: {  	[bflag:$0x3] =	sbarrier.arrive $0xFFFF  }
0x2b: {  	_ =	shalt  }

</sc_bundles>
